<compile_context>
chip_gen: v7x
topology: tpu7x:2x2x1
jax: 0.10.2.dev20260603
libtpu: 0.0.44.dev20260713+nightly
codegen_flags: <defaults>
</compile_context>

<pallas_src>
import functools

import jax
import jax.numpy as jnp
from jax import lax
from jax.experimental import pallas as pl
from jax.experimental.pallas import tpu as pltpu
from jax.experimental.pallas import tpu_sc as plsc

_ROWS_PER_WORKER = 8
_G = 16


@functools.lru_cache(maxsize=None)
def _make_sc_gather(start, num_rows, d_model, max_len):
    info = plsc.get_sparse_core_info()
    num_cores = info.num_cores
    mesh = plsc.VectorSubcoreMesh(core_axis_name="c", subcore_axis_name="s")
    active = num_rows // _ROWS_PER_WORKER

    @functools.partial(
        pl.kernel,
        mesh=mesh,
        out_type=jax.ShapeDtypeStruct((num_rows, d_model), jnp.float32),
        scratch_types=[
            pltpu.VMEM((_ROWS_PER_WORKER,), jnp.int32),
            pltpu.VMEM((_ROWS_PER_WORKER, d_model), jnp.float32),
            pltpu.SemaphoreType.DMA,
        ],
    )
    def gather(pe_hbm, idx_hbm, out_hbm, idx_v, rows_v, sem):
        wid = lax.axis_index("s") * num_cores + lax.axis_index("c")
        T = idx_hbm.shape[1]

        @pl.when(wid < active)
        def _():
            base = wid * _ROWS_PER_WORKER
            off = start + base
            pltpu.sync_copy(
                idx_hbm.at[off // T, pl.ds(off % T, _ROWS_PER_WORKER)], idx_v
            )
            pltpu.async_copy(pe_hbm.at[idx_v], rows_v, sem).wait()
            pltpu.sync_copy(rows_v, out_hbm.at[pl.ds(base, _ROWS_PER_WORKER)])

    return gather


def _add_body1(pos_ref, x_ref, *pe_and_out):
    pe_refs, o_ref = pe_and_out[:-1], pe_and_out[-1]
    T = pos_ref.shape[1]
    i = pl.program_id(0)
    for k in range(_G):
        bt = i * _G + k
        s = pos_ref[bt // T, bt % T] % _ROWS_PER_WORKER
        o_ref[k] = x_ref[k] + pe_refs[k][pl.ds(s, 1), :]


def _add_body2(x_ref, t_ref, prev_ref, o_ref):
    del prev_ref
    for k in range(_G):
        o_ref[k] = x_ref[k] + t_ref[k : k + 1, :]


def kernel(x, batch_positions, pe):
    B, T, d_model, H, W = x.shape
    BT = B * T
    HW = H * W
    part1 = BT // 6
    part2 = BT - part1
    n1 = part1 // _G
    n2 = part2 // _G
    x3 = x.transpose(0, 1, 3, 4, 2).reshape(BT, HW, d_model)

    table2 = _make_sc_gather(part1, part2, d_model, pe.shape[0])(
        pe, batch_positions
    )

    def _pe_map(k):
        return lambda i, pref: (
            pref[(i * _G + k) // T, (i * _G + k) % T] // _ROWS_PER_WORKER,
            0,
        )

    grid_spec = pltpu.PrefetchScalarGridSpec(
        num_scalar_prefetch=1,
        grid=(n1,),
        in_specs=[
            pl.BlockSpec((_G, HW, d_model), lambda i, pref: (i, 0, 0)),
            *[
                pl.BlockSpec((_ROWS_PER_WORKER, d_model), _pe_map(k))
                for k in range(_G)
            ],
        ],
        out_specs=pl.BlockSpec((_G, HW, d_model), lambda i, pref: (i, 0, 0)),
    )
    out1 = pl.pallas_call(
        _add_body1,
        grid_spec=grid_spec,
        out_shape=jax.ShapeDtypeStruct((BT, HW, d_model), jnp.float32),
    )(batch_positions, x3, *([pe] * _G))

    out = pl.pallas_call(
        _add_body2,
        grid=(n2,),
        in_specs=[
            pl.BlockSpec((_G, HW, d_model), lambda i: (i + n1, 0, 0)),
            pl.BlockSpec((_G, d_model), lambda i: (i, 0)),
            pl.BlockSpec(memory_space=pltpu.MemorySpace.HBM),
        ],
        out_specs=pl.BlockSpec((_G, HW, d_model), lambda i: (i + n1, 0, 0)),
        out_shape=jax.ShapeDtypeStruct((BT, HW, d_model), jnp.float32),
        input_output_aliases={2: 0},
    )(x3, table2, out1)
    return out.reshape(B, T, H, W, d_model).transpose(0, 1, 4, 2, 3)

# --- scband reference (transcript-rebuilt; emitter-appended) ---
"""Pipeline reference for scband-positional-encoding-10625749090905 (READ-ONLY COPY).

The authoritative reference and input builder live on the scoring server;
editing this copy changes nothing except your own understanding.
"""

import math
import jax, jax.numpy as jnp
import numpy as np


def _build_pe(max_len, d_model):
    position = jnp.arange(max_len, dtype=jnp.float32)[:, None]
    div_term = jnp.exp(jnp.arange(0, d_model, 2, dtype=jnp.float32) * (-math.log(10000.0) / d_model))
    pe = jnp.zeros((max_len, d_model), dtype=jnp.float32)
    pe = pe.at[:, 0::2].set(jnp.sin(position * div_term))
    pe = pe.at[:, 1::2].set(jnp.cos(position * div_term))
    return pe


def setup_inputs(seed: int = 0) -> dict:
    key = jax.random.key(seed)
    k1, k2 = jax.random.split(key)
    B, T, d_model, H, W = 8, 24, 128, 32, 32
    max_len = 400
    x = jax.random.normal(k1, (B, T, d_model, H, W), dtype=jnp.float32)
    batch_positions = jax.random.randint(k2, (B, T), 0, max_len, dtype=jnp.int32)
    pe = _build_pe(max_len, d_model)
    return {"x": x, "batch_positions": batch_positions, "pe": pe}


def reference(x, batch_positions, pe):
    # gather positional encodings per (batch, timestep): pe[batch_positions] -> [B, T, d_model]
    position = jnp.take(pe, batch_positions, axis=0)
    H = x.shape[-2]
    W = x.shape[-1]
    # unsqueeze(-1).repeat over H, then unsqueeze(-1).repeat over W -> [B, T, d_model, H, W]
    position = jnp.tile(position[..., None], (1, 1, 1, H))
    position = jnp.tile(position[..., None], (1, 1, 1, 1, W))
    out = x + position
    # dropout in eval mode is identity
    return out

if __name__ == "__main__":
    import jax
    _d = setup_inputs()
    print(jax.jit(kernel)(*tuple(_d.values())))

</pallas_src>

<mosaic_0001>
#map = affine_map<(d0, d1) -> (0, 0)>
module attributes {stable_mosaic.version = 14 : i64} {
  func.func @gather(%arg0: i32, %arg1: i32, %arg2: memref<400x128xf32, #tpu.memory_space<hbm>>, %arg3: memref<8x24xi32, #tpu.memory_space<hbm>>, %arg4: memref<160x128xf32, #tpu.memory_space<hbm>>, %arg5: memref<8xi32, #tpu.memory_space<vmem>>, %arg6: memref<8x128xf32, #tpu.memory_space<vmem>>, %arg7: memref<!tpu.dma_semaphore, #tpu.memory_space<semaphore_mem>>) attributes {dimension_semantics = [#tpu.dimension_semantics<core_parallel>, #tpu.dimension_semantics<subcore_parallel>], iteration_bounds = array<i64: 2, 16>, scalar_prefetch = 0 : i64, scratch_operands = 3 : i64, tpu.core_type = #tpu.core_type<sc_vector_subcore>, window_params = [{transform_indices = #map}, {transform_indices = #map}, {transform_indices = #map}]} {
    %mul3A = arith.constant 2 : i32
    %mul3A_0 = arith.muli %arg1, %mul3A : i32
    %add3A = arith.addi %mul3A_0, %arg0 : i32
    %lt3A = arith.constant 20 : i32
    %lt3A_1 = arith.cmpi slt, %add3A, %lt3A : i32
    %convert_element_type3A = arith.extui %lt3A_1 : i1 to i32
    %cond3A = arith.constant 0 : i32
    %cond3A_2 = arith.cmpi ne, %convert_element_type3A, %cond3A : i32
    scf.if %cond3A_2 {
      %mul3A_3 = arith.constant 8 : i32
      %mul3A_4 = arith.muli %add3A, %mul3A_3 : i32
      %add3A_5 = arith.constant 32 : i32
      %add3A_6 = arith.addi %add3A_5, %mul3A_4 : i32
      %jit3A = arith.constant 24 : i32
      %div3A = arith.divsi %add3A_6, %jit3A : i32
      %sign3A = arith.constant 0 : i32
      %sign3A_7 = arith.cmpi sgt, %add3A_6, %sign3A : i32
      %sign3A_8 = arith.extui %sign3A_7 : i1 to i32
      %sign3A_9 = arith.constant 0 : i32
      %sign3A_10 = arith.cmpi slt, %add3A_6, %sign3A_9 : i32
      %sign3A_11 = arith.extui %sign3A_10 : i1 to i32
      %sign3A_12 = arith.subi %sign3A_8, %sign3A_11 : i32
      %sign3A_13 = arith.constant 0 : i32
      %sign3A_14 = arith.cmpi sgt, %jit3A, %sign3A_13 : i32
      %sign3A_15 = arith.extui %sign3A_14 : i1 to i32
      %sign3A_16 = arith.constant 0 : i32
      %sign3A_17 = arith.cmpi slt, %jit3A, %sign3A_16 : i32
      %sign3A_18 = arith.extui %sign3A_17 : i1 to i32
      %sign3A_19 = arith.subi %sign3A_15, %sign3A_18 : i32
      %ne3A = arith.cmpi ne, %sign3A_12, %sign3A_19 : i32
      %rem3A = arith.remsi %add3A_6, %jit3A : i32
      %ne3A_20 = arith.constant 0 : i32
      %ne3A_21 = arith.cmpi ne, %rem3A, %ne3A_20 : i32
      %and3A = arith.andi %ne3A, %ne3A_21 : i1
      %sub3A = arith.constant 1 : i32
      %sub3A_22 = arith.subi %div3A, %sub3A : i32
      %select_n3A = arith.select %and3A, %sub3A_22, %div3A : i32
      %jit3A_23 = arith.constant 24 : i32
      %eq3A = arith.constant 0 : i32
      %eq3A_24 = arith.cmpi eq, %jit3A_23, %eq3A : i32
      %jit3A_25 = arith.constant 1 : i32
      %select_n3A_26 = arith.select %eq3A_24, %jit3A_25, %jit3A_23 : i32
      %rem3A_27 = arith.remsi %add3A_6, %select_n3A_26 : i32
      %ne3A_28 = arith.constant 0 : i32
      %ne3A_29 = arith.cmpi ne, %rem3A_27, %ne3A_28 : i32
      %lt3A_30 = arith.constant 0 : i32
      %lt3A_31 = arith.cmpi slt, %rem3A_27, %lt3A_30 : i32
      %lt3A_32 = arith.constant 0 : i32
      %lt3A_33 = arith.cmpi slt, %select_n3A_26, %lt3A_32 : i32
      %ne3A_34 = arith.xori %lt3A_31, %lt3A_33 : i1
      %and3A_35 = arith.andi %ne3A_34, %ne3A_29 : i1
      %add3A_36 = arith.addi %rem3A_27, %select_n3A_26 : i32
      %select_n3A_37 = arith.select %and3A_35, %add3A_36, %rem3A_27 : i32
      "tpu.region"() ({
        %run_scoped3A = tpu.sem_alloc : memref<!tpu.dma_semaphore, #tpu.memory_space<semaphore_mem>>
        %dma_start3A_42 = tpu.memref_slice %arg3[%select_n3A, %select_n3A_37] : memref<8x24xi32, #tpu.memory_space<hbm>> -> memref<1x8xi32, #tpu.memory_space<hbm>>
        %dma_start3A_43 = tpu.memref_squeeze %dma_start3A_42 : memref<1x8xi32, #tpu.memory_space<hbm>> -> memref<8xi32, #tpu.memory_space<hbm>>
        %dma_start3A_44 = tpu.memref_slice %arg3[%select_n3A, %select_n3A_37] : memref<8x24xi32, #tpu.memory_space<hbm>> -> memref<1x8xi32, #tpu.memory_space<hbm>>
        %dma_start3A_45 = tpu.memref_squeeze %dma_start3A_44 : memref<1x8xi32, #tpu.memory_space<hbm>> -> memref<8xi32, #tpu.memory_space<hbm>>
        tpu.enqueue_dma source(%dma_start3A_45 : memref<8xi32, #tpu.memory_space<hbm>>) target(%arg5 : memref<8xi32, #tpu.memory_space<vmem>>) target_semaphore(%run_scoped3A : memref<!tpu.dma_semaphore, #tpu.memory_space<semaphore_mem>>)
        %dma_wait3A_46 = tpu.memref_slice %arg3[%select_n3A, %select_n3A_37] : memref<8x24xi32, #tpu.memory_space<hbm>> -> memref<1x8xi32, #tpu.memory_space<hbm>>
        %dma_wait3A_47 = tpu.memref_squeeze %dma_wait3A_46 : memref<1x8xi32, #tpu.memory_space<hbm>> -> memref<8xi32, #tpu.memory_space<hbm>>
        %dma_wait3A_48 = tpu.memref_slice %arg3[%select_n3A, %select_n3A_37] : memref<8x24xi32, #tpu.memory_space<hbm>> -> memref<1x8xi32, #tpu.memory_space<hbm>>
        %dma_wait3A_49 = tpu.memref_squeeze %dma_wait3A_48 : memref<1x8xi32, #tpu.memory_space<hbm>> -> memref<8xi32, #tpu.memory_space<hbm>>
        tpu.wait_dma2 semaphore(%run_scoped3A : memref<!tpu.dma_semaphore, #tpu.memory_space<semaphore_mem>>) src(%dma_wait3A_49 : memref<8xi32, #tpu.memory_space<hbm>>) dst(%arg5 : memref<8xi32, #tpu.memory_space<vmem>>)
        tpu.yield
      }) : () -> ()
      %dma_start3A = arith.constant 0 : i32
      %dma_start3A_38 = arith.constant 0 : i32
      %dma_start3A_39 = tpu.memref_slice %arg2[%dma_start3A, %dma_start3A_38] : memref<400x128xf32, #tpu.memory_space<hbm>> -> memref<400x128xf32, #tpu.memory_space<hbm>>
      tpu.enqueue_indirect_dma source(%dma_start3A_39 : memref<400x128xf32, #tpu.memory_space<hbm>>) target(%arg6 : memref<8x128xf32, #tpu.memory_space<vmem>>) offsets(%arg5 : memref<8xi32, #tpu.memory_space<vmem>>) semaphore(%arg7 : memref<!tpu.dma_semaphore, #tpu.memory_space<semaphore_mem>>)
      %dma_wait3A = arith.constant 0 : i32
      %dma_wait3A_40 = arith.constant 0 : i32
      %dma_wait3A_41 = tpu.memref_slice %arg2[%dma_wait3A, %dma_wait3A_40] : memref<400x128xf32, #tpu.memory_space<hbm>> -> memref<400x128xf32, #tpu.memory_space<hbm>>
      tpu.wait_indirect_dma semaphore(%arg7 : memref<!tpu.dma_semaphore, #tpu.memory_space<semaphore_mem>>) src(%dma_wait3A_41 : memref<400x128xf32, #tpu.memory_space<hbm>>) dst(%arg6 : memref<8x128xf32, #tpu.memory_space<vmem>>)
      "tpu.region"() ({
        %run_scoped3A = tpu.sem_alloc : memref<!tpu.dma_semaphore, #tpu.memory_space<semaphore_mem>>
        %dma_start3A_42 = arith.constant 0 : i32
        %dma_start3A_43 = tpu.memref_slice %arg4[%mul3A_4, %dma_start3A_42] : memref<160x128xf32, #tpu.memory_space<hbm>> -> memref<8x128xf32, #tpu.memory_space<hbm>>
        %dma_start3A_44 = arith.constant 0 : i32
        %dma_start3A_45 = tpu.memref_slice %arg4[%mul3A_4, %dma_start3A_44] : memref<160x128xf32, #tpu.memory_space<hbm>> -> memref<8x128xf32, #tpu.memory_space<hbm>>
        tpu.enqueue_dma source(%arg6 : memref<8x128xf32, #tpu.memory_space<vmem>>) target(%dma_start3A_45 : memref<8x128xf32, #tpu.memory_space<hbm>>) target_semaphore(%run_scoped3A : memref<!tpu.dma_semaphore, #tpu.memory_space<semaphore_mem>>)
        %dma_wait3A_46 = arith.constant 0 : i32
        %dma_wait3A_47 = tpu.memref_slice %arg4[%mul3A_4, %dma_wait3A_46] : memref<160x128xf32, #tpu.memory_space<hbm>> -> memref<8x128xf32, #tpu.memory_space<hbm>>
        %dma_wait3A_48 = arith.constant 0 : i32
        %dma_wait3A_49 = tpu.memref_slice %arg4[%mul3A_4, %dma_wait3A_48] : memref<160x128xf32, #tpu.memory_space<hbm>> -> memref<8x128xf32, #tpu.memory_space<hbm>>
        tpu.wait_dma2 semaphore(%run_scoped3A : memref<!tpu.dma_semaphore, #tpu.memory_space<semaphore_mem>>) src(%arg6 : memref<8x128xf32, #tpu.memory_space<vmem>>) dst(%dma_wait3A_49 : memref<8x128xf32, #tpu.memory_space<hbm>>)
        tpu.yield
      }) : () -> ()
    } else {
    }
    return
  }
}

module attributes {stable_mosaic.version = 14 : i64} {
  func.func @_add_body2(%arg0: i32, %arg1: memref<16x1024x128xf32, #tpu.memory_space<vmem>>, %arg2: memref<16x128xf32, #tpu.memory_space<vmem>>, %arg3: memref<192x1024x128xf32, #tpu.memory_space<hbm>>, %arg4: memref<16x1024x128xf32, #tpu.memory_space<vmem>>) attributes {dimension_semantics = [#tpu.dimension_semantics<arbitrary>], iteration_bounds = array<i64: 10>, scalar_prefetch = 0 : i64, scratch_operands = 0 : i64, tpu.core_type = #tpu.core_type<tc>, window_params = [{transform_indices = @transform_0, window_bounds = array<i64: 16, 1024, 128>}, {transform_indices = @transform_1, window_bounds = array<i64: 16, 128>}, {}, {transform_indices = @transform_3, window_bounds = array<i64: 16, 1024, 128>}]} {
    %get3A = arith.constant 0 : index
    %get3A_0 = arith.constant 0 : index
    %get3A_1 = arith.constant 0 : index
    %get3A_2 = vector.load %arg1[%get3A, %get3A_0, %get3A_1] : memref<16x1024x128xf32, #tpu.memory_space<vmem>>, vector<1x1024x128xf32>
    %get3A_3 = vector.shape_cast %get3A_2 : vector<1x1024x128xf32> to vector<1024x128xf32>
    %get3A_4 = arith.constant 0 : index
    %get3A_5 = arith.constant 0 : index
    %get3A_6 = vector.load %arg2[%get3A_4, %get3A_5] : memref<16x128xf32, #tpu.memory_space<vmem>>, vector<1x128xf32>
    %add3A = vector.broadcast %get3A_6 : vector<1x128xf32> to vector<1024x128xf32>
    %add3A_7 = arith.addf %get3A_3, %add3A : vector<1024x128xf32>
    %swap3A = arith.constant 0 : index
    %swap3A_8 = arith.constant 0 : index
    %swap3A_9 = arith.constant 0 : index
    %swap3A_10 = vector.load %arg4[%swap3A, %swap3A_8, %swap3A_9] : memref<16x1024x128xf32, #tpu.memory_space<vmem>>, vector<1x1024x128xf32>
    %swap3A_11 = vector.shape_cast %swap3A_10 : vector<1x1024x128xf32> to vector<1024x128xf32>
    %swap3A_12 = vector.shape_cast %add3A_7 : vector<1024x128xf32> to vector<1x1024x128xf32>
    tpu.vector_store %arg4[%swap3A, %swap3A_8, %swap3A_9], %swap3A_12 {strides = array<i32>} : memref<16x1024x128xf32, #tpu.memory_space<vmem>>, vector<1x1024x128xf32>,
    %get3A_13 = arith.constant 1 : index
    %get3A_14 = arith.constant 0 : index
    %get3A_15 = arith.constant 0 : index
    %get3A_16 = vector.load %arg1[%get3A_13, %get3A_14, %get3A_15] : memref<16x1024x128xf32, #tpu.memory_space<vmem>>, vector<1x1024x128xf32>
    %get3A_17 = vector.shape_cast %get3A_16 : vector<1x1024x128xf32> to vector<1024x128xf32>
    %get3A_18 = arith.constant 1 : index
    %get3A_19 = arith.constant 0 : index
    %get3A_20 = vector.load %arg2[%get3A_18, %get3A_19] : memref<16x128xf32, #tpu.memory_space<vmem>>, vector<1x128xf32>
    %add3A_21 = vector.broadcast %get3A_20 : vector<1x128xf32> to vector<1024x128xf32>
    %add3A_22 = arith.addf %get3A_17, %add3A_21 : vector<1024x128xf32>
    %swap3A_23 = arith.constant 1 : index
    %swap3A_24 = arith.constant 0 : index
    %swap3A_25 = arith.constant 0 : index
    %swap3A_26 = vector.load %arg4[%swap3A_23, %swap3A_24, %swap3A_25] : memref<16x1024x128xf32, #tpu.memory_space<vmem>>, vector<1x1024x128xf32>
    %swap3A_27 = vector.shape_cast %swap3A_26 : vector<1x1024x128xf32> to vector<1024x128xf32>
    %swap3A_28 = vector.shape_cast %add3A_22 : vector<1024x128xf32> to vector<1x1024x128xf32>
    tpu.vector_store %arg4[%swap3A_23, %swap3A_24, %swap3A_25], %swap3A_28 {strides = array<i32>} : memref<16x1024x128xf32, #tpu.memory_space<vmem>>, vector<1x1024x128xf32>,
    %get3A_29 = arith.constant 2 : index
    %get3A_30 = arith.constant 0 : index
    %get3A_31 = arith.constant 0 : index
    %get3A_32 = vector.load %arg1[%get3A_29, %get3A_30, %get3A_31] : memref<16x1024x128xf32, #tpu.memory_space<vmem>>, vector<1x1024x128xf32>
    %get3A_33 = vector.shape_cast %get3A_32 : vector<1x1024x128xf32> to vector<1024x128xf32>
    %get3A_34 = arith.constant 2 : index
    %get3A_35 = arith.constant 0 : index
    %get3A_36 = vector.load %arg2[%get3A_34, %get3A_35] : memref<16x128xf32, #tpu.memory_space<vmem>>, vector<1x128xf32>
    %add3A_37 = vector.broadcast %get3A_36 : vector<1x128xf32> to vector<1024x128xf32>
    %add3A_38 = arith.addf %get3A_33, %add3A_37 : vector<1024x128xf32>
    %swap3A_39 = arith.constant 2 : index
    %swap3A_40 = arith.constant 0 : index
    %swap3A_41 = arith.constant 0 : index
    %swap3A_42 = vector.load %arg4[%swap3A_39, %swap3A_40, %swap3A_41] : memref<16x1024x128xf32, #tpu.memory_space<vmem>>, vector<1x1024x128xf32>
    %swap3A_43 = vector.shape_cast %swap3A_42 : vector<1x1024x128xf32> to vector<1024x128xf32>
    %swap3A_44 = vector.shape_cast %add3A_38 : vector<1024x128xf32> to vector<1x1024x128xf32>
    tpu.vector_store %arg4[%swap3A_39, %swap3A_40, %swap3A_41], %swap3A_44 {strides = array<i32>} : memref<16x1024x128xf32, #tpu.memory_space<vmem>>, vector<1x1024x128xf32>,
    %get3A_45 = arith.constant 3 : index
    %get3A_46 = arith.constant 0 : index
    %get3A_47 = arith.constant 0 : index
    %get3A_48 = vector.load %arg1[%get3A_45, %get3A_46, %get3A_47] : memref<16x1024x128xf32, #tpu.memory_space<vmem>>, vector<1x1024x128xf32>
    %get3A_49 = vector.shape_cast %get3A_48 : vector<1x1024x128xf32> to vector<1024x128xf32>
    %get3A_50 = arith.constant 3 : index
    %get3A_51 = arith.constant 0 : index
    %get3A_52 = vector.load %arg2[%get3A_50, %get3A_51] : memref<16x128xf32, #tpu.memory_space<vmem>>, vector<1x128xf32>
    %add3A_53 = vector.broadcast %get3A_52 : vector<1x128xf32> to vector<1024x128xf32>
    %add3A_54 = arith.addf %get3A_49, %add3A_53 : vector<1024x128xf32>
    %swap3A_55 = arith.constant 3 : index
    %swap3A_56 = arith.constant 0 : index
    %swap3A_57 = arith.constant 0 : index
    %swap3A_58 = vector.load %arg4[%swap3A_55, %swap3A_56, %swap3A_57] : memref<16x1024x128xf32, #tpu.memory_space<vmem>>, vector<1x1024x128xf32>
    %swap3A_59 = vector.shape_cast %swap3A_58 : vector<1x1024x128xf32> to vector<1024x128xf32>
    %swap3A_60 = vector.shape_cast %add3A_54 : vector<1024x128xf32> to vector<1x1024x128xf32>
    tpu.vector_store %arg4[%swap3A_55, %swap3A_56, %swap3A_57], %swap3A_60 {strides = array<i32>} : memref<16x1024x128xf32, #tpu.memory_space<vmem>>, vector<1x1024x128xf32>,
    %get3A_61 = arith.constant 4 : index
    %get3A_62 = arith.constant 0 : index
    %get3A_63 = arith.constant 0 : index
    %get3A_64 = vector.load %arg1[%get3A_61, %get3A_62, %get3A_63] : memref<16x1024x128xf32, #tpu.memory_space<vmem>>, vector<1x1024x128xf32>
    %get3A_65 = vector.shape_cast %get3A_64 : vector<1x1024x128xf32> to vector<1024x128xf32>
    %get3A_66 = arith.constant 4 : index
    %get3A_67 = arith.constant 0 : index
    %get3A_68 = vector.load %arg2[%get3A_66, %get3A_67] : memref<16x128xf32, #tpu.memory_space<vmem>>, vector<1x128xf32>
    %add3A_69 = vector.broadcast %get3A_68 : vector<1x128xf32> to vector<1024x128xf32>
    %add3A_70 = arith.addf %get3A_65, %add3A_69 : vector<1024x128xf32>
    %swap3A_71 = arith.constant 4 : index
    %swap3A_72 = arith.constant 0 : index
    %swap3A_73 = arith.constant 0 : index
    %swap3A_74 = vector.load %arg4[%swap3A_71, %swap3A_72, %swap3A_73] : memref<16x1024x128xf32, #tpu.memory_space<vmem>>, vector<1x1024x128xf32>
    %swap3A_75 = vector.shape_cast %swap3A_74 : vector<1x1024x128xf32> to vector<1024x128xf32>
    %swap3A_76 = vector.shape_cast %add3A_70 : vector<1024x128xf32> to vector<1x1024x128xf32>
    tpu.vector_store %arg4[%swap3A_71, %swap3A_72, %swap3A_73], %swap3A_76 {strides = array<i32>} : memref<16x1024x128xf32, #tpu.memory_space<vmem>>, vector<1x1024x128xf32>,
    %get3A_77 = arith.constant 5 : index
    %get3A_78 = arith.constant 0 : index
    %get3A_79 = arith.constant 0 : index
    %get3A_80 = vector.load %arg1[%get3A_77, %get3A_78, %get3A_79] : memref<16x1024x128xf32, #tpu.memory_space<vmem>>, vector<1x1024x128xf32>
    %get3A_81 = vector.shape_cast %get3A_80 : vector<1x1024x128xf32> to vector<1024x128xf32>
    %get3A_82 = arith.constant 5 : index
    %get3A_83 = arith.constant 0 : index
    %get3A_84 = vector.load %arg2[%get3A_82, %get3A_83] : memref<16x128xf32, #tpu.memory_space<vmem>>, vector<1x128xf32>
    %add3A_85 = vector.broadcast %get3A_84 : vector<1x128xf32> to vector<1024x128xf32>
    %add3A_86 = arith.addf %get3A_81, %add3A_85 : vector<1024x128xf32>
    %swap3A_87 = arith.constant 5 : index
    %swap3A_88 = arith.constant 0 : index
    %swap3A_89 = arith.constant 0 : index
    %swap3A_90 = vector.load %arg4[%swap3A_87, %swap3A_88, %swap3A_89] : memref<16x1024x128xf32, #tpu.memory_space<vmem>>, vector<1x1024x128xf32>
    %swap3A_91 = vector.shape_cast %swap3A_90 : vector<1x1024x128xf32> to vector<1024x128xf32>
    %swap3A_92 = vector.shape_cast %add3A_86 : vector<1024x128xf32> to vector<1x1024x128xf32>
    tpu.vector_store %arg4[%swap3A_87, %swap3A_88, %swap3A_89], %swap3A_92 {strides = array<i32>} : memref<16x1024x128xf32, #tpu.memory_space<vmem>>, vector<1x1024x128xf32>,
    %get3A_93 = arith.constant 6 : index
    %get3A_94 = arith.constant 0 : index
    %get3A_95 = arith.constant 0 : index
    %get3A_96 = vector.load %arg1[%get3A_93, %get3A_94, %get3A_95] : memref<16x1024x128xf32, #tpu.memory_space<vmem>>, vector<1x1024x128xf32>
    %get3A_97 = vector.shape_cast %get3A_96 : vector<1x1024x128xf32> to vector<1024x128xf32>
    %get3A_98 = arith.constant 6 : index
    %get3A_99 = arith.constant 0 : index
    %get3A_100 = vector.load %arg2[%get3A_98, %get3A_99] : memref<16x128xf32, #tpu.memory_space<vmem>>, vector<1x128xf32>
    %add3A_101 = vector.broadcast %get3A_100 : vector<1x128xf32> to vector<1024x128xf32>
    %add3A_102 = arith.addf %get3A_97, %add3A_101 : vector<1024x128xf32>
    %swap3A_103 = arith.constant 6 : index
    %swap3A_104 = arith.constant 0 : index
    %swap3A_105 = arith.constant 0 : index
    %swap3A_106 = vector.load %arg4[%swap3A_103, %swap3A_104, %swap3A_105] : memref<16x1024x128xf32, #tpu.memory_space<vmem>>, vector<1x1024x128xf32>
    %swap3A_107 = vector.shape_cast %swap3A_106 : vector<1x1024x128xf32> to vector<1024x128xf32>
    %swap3A_108 = vector.shape_cast %add3A_102 : vector<1024x128xf32> to vector<1x1024x128xf32>
    tpu.vector_store %arg4[%swap3A_103, %swap3A_104, %swap3A_105], %swap3A_108 {strides = array<i32>} : memref<16x1024x128xf32, #tpu.memory_space<vmem>>, vector<1x1024x128xf32>,
    %get3A_109 = arith.constant 7 : index
    %get3A_110 = arith.constant 0 : index
    %get3A_111 = arith.constant 0 : index
    %get3A_112 = vector.load %arg1[%get3A_109, %get3A_110, %get3A_111] : memref<16x1024x128xf32, #tpu.memory_space<vmem>>, vector<1x1024x128xf32>
    %get3A_113 = vector.shape_cast %get3A_112 : vector<1x1024x128xf32> to vector<1024x128xf32>
    %get3A_114 = arith.constant 7 : index
    %get3A_115 = arith.constant 0 : index
    %get3A_116 = vector.load %arg2[%get3A_114, %get3A_115] : memref<16x128xf32, #tpu.memory_space<vmem>>, vector<1x128xf32>
    %add3A_117 = vector.broadcast %get3A_116 : vector<1x128xf32> to vector<1024x128xf32>
    %add3A_118 = arith.addf %get3A_113, %add3A_117 : vector<1024x128xf32>
    %swap3A_119 = arith.constant 7 : index
    %swap3A_120 = arith.constant 0 : index
    %swap3A_121 = arith.constant 0 : index
    %swap3A_122 = vector.load %arg4[%swap3A_119, %swap3A_120, %swap3A_121] : memref<16x1024x128xf32, #tpu.memory_space<vmem>>, vector<1x1024x128xf32>
    %swap3A_123 = vector.shape_cast %swap3A_122 : vector<1x1024x128xf32> to vector<1024x128xf32>
    %swap3A_124 = vector.shape_cast %add3A_118 : vector<1024x128xf32> to vector<1x1024x128xf32>
    tpu.vector_store %arg4[%swap3A_119, %swap3A_120, %swap3A_121], %swap3A_124 {strides = array<i32>} : memref<16x1024x128xf32, #tpu.memory_space<vmem>>, vector<1x1024x128xf32>,
    %get3A_125 = arith.constant 8 : index
    %get3A_126 = arith.constant 0 : index
    %get3A_127 = arith.constant 0 : index
    %get3A_128 = vector.load %arg1[%get3A_125, %get3A_126, %get3A_127] : memref<16x1024x128xf32, #tpu.memory_space<vmem>>, vector<1x1024x128xf32>
    %get3A_129 = vector.shape_cast %get3A_128 : vector<1x1024x128xf32> to vector<1024x128xf32>
    %get3A_130 = arith.constant 8 : index
    %get3A_131 = arith.constant 0 : index
    %get3A_132 = vector.load %arg2[%get3A_130, %get3A_131] : memref<16x128xf32, #tpu.memory_space<vmem>>, vector<1x128xf32>
    %add3A_133 = vector.broadcast %get3A_132 : vector<1x128xf32> to vector<1024x128xf32>
    %add3A_134 = arith.addf %get3A_129, %add3A_133 : vector<1024x128xf32>
    %swap3A_135 = arith.constant 8 : index
    %swap3A_136 = arith.constant 0 : index
    %swap3A_137 = arith.constant 0 : index
    %swap3A_138 = vector.load %arg4[%swap3A_135, %swap3A_136, %swap3A_137] : memref<16x1024x128xf32, #tpu.memory_space<vmem>>, vector<1x1024x128xf32>
    %swap3A_139 = vector.shape_cast %swap3A_138 : vector<1x1024x128xf32> to vector<1024x128xf32>
    %swap3A_140 = vector.shape_cast %add3A_134 : vector<1024x128xf32> to vector<1x1024x128xf32>
    tpu.vector_store %arg4[%swap3A_135, %swap3A_136, %swap3A_137], %swap3A_140 {strides = array<i32>} : memref<16x1024x128xf32, #tpu.memory_space<vmem>>, vector<1x1024x128xf32>,
    %get3A_141 = arith.constant 9 : index
    %get3A_142 = arith.constant 0 : index
    %get3A_143 = arith.constant 0 : index
    %get3A_144 = vector.load %arg1[%get3A_141, %get3A_142, %get3A_143] : memref<16x1024x128xf32, #tpu.memory_space<vmem>>, vector<1x1024x128xf32>
    %get3A_145 = vector.shape_cast %get3A_144 : vector<1x1024x128xf32> to vector<1024x128xf32>
    %get3A_146 = arith.constant 9 : index
    %get3A_147 = arith.constant 0 : index
    %get3A_148 = vector.load %arg2[%get3A_146, %get3A_147] : memref<16x128xf32, #tpu.memory_space<vmem>>, vector<1x128xf32>
    %add3A_149 = vector.broadcast %get3A_148 : vector<1x128xf32> to vector<1024x128xf32>
    %add3A_150 = arith.addf %get3A_145, %add3A_149 : vector<1024x128xf32>
    %swap3A_151 = arith.constant 9 : index
    %swap3A_152 = arith.constant 0 : index
    %swap3A_153 = arith.constant 0 : index
    %swap3A_154 = vector.load %arg4[%swap3A_151, %swap3A_152, %swap3A_153] : memref<16x1024x128xf32, #tpu.memory_space<vmem>>, vector<1x1024x128xf32>
    %swap3A_155 = vector.shape_cast %swap3A_154 : vector<1x1024x128xf32> to vector<1024x128xf32>
    %swap3A_156 = vector.shape_cast %add3A_150 : vector<1024x128xf32> to vector<1x1024x128xf32>
    tpu.vector_store %arg4[%swap3A_151, %swap3A_152, %swap3A_153], %swap3A_156 {strides = array<i32>} : memref<16x1024x128xf32, #tpu.memory_space<vmem>>, vector<1x1024x128xf32>,
    %get3A_157 = arith.constant 10 : index
    %get3A_158 = arith.constant 0 : index
    %get3A_159 = arith.constant 0 : index
    %get3A_160 = vector.load %arg1[%get3A_157, %get3A_158, %get3A_159] : memref<16x1024x128xf32, #tpu.memory_space<vmem>>, vector<1x1024x128xf32>
    %get3A_161 = vector.shape_cast %get3A_160 : vector<1x1024x128xf32> to vector<1024x128xf32>
    %get3A_162 = arith.constant 10 : index
    %get3A_163 = arith.constant 0 : index
    %get3A_164 = vector.load %arg2[%get3A_162, %get3A_163] : memref<16x128xf32, #tpu.memory_space<vmem>>, vector<1x128xf32>
    %add3A_165 = vector.broadcast %get3A_164 : vector<1x128xf32> to vector<1024x128xf32>
    %add3A_166 = arith.addf %get3A_161, %add3A_165 : vector<1024x128xf32>
    %swap3A_167 = arith.constant 10 : index
    %swap3A_168 = arith.constant 0 : index
    %swap3A_169 = arith.constant 0 : index
    %swap3A_170 = vector.load %arg4[%swap3A_167, %swap3A_168, %swap3A_169] : memref<16x1024x128xf32, #tpu.memory_space<vmem>>, vector<1x1024x128xf32>
    %swap3A_171 = vector.shape_cast %swap3A_170 : vector<1x1024x128xf32> to vector<1024x128xf32>
    %swap3A_172 = vector.shape_cast %add3A_166 : vector<1024x128xf32> to vector<1x1024x128xf32>
    tpu.vector_store %arg4[%swap3A_167, %swap3A_168, %swap3A_169], %swap3A_172 {strides = array<i32>} : memref<16x1024x128xf32, #tpu.memory_space<vmem>>, vector<1x1024x128xf32>,
    %get3A_173 = arith.constant 11 : index
    %get3A_174 = arith.constant 0 : index
    %get3A_175 = arith.constant 0 : index
    %get3A_176 = vector.load %arg1[%get3A_173, %get3A_174, %get3A_175] : memref<16x1024x128xf32, #tpu.memory_space<vmem>>, vector<1x1024x128xf32>
    %get3A_177 = vector.shape_cast %get3A_176 : vector<1x1024x128xf32> to vector<1024x128xf32>
    %get3A_178 = arith.constant 11 : index
    %get3A_179 = arith.constant 0 : index
    %get3A_180 = vector.load %arg2[%get3A_178, %get3A_179] : memref<16x128xf32, #tpu.memory_space<vmem>>, vector<1x128xf32>
    %add3A_181 = vector.broadcast %get3A_180 : vector<1x128xf32> to vector<1024x128xf32>
    %add3A_182 = arith.addf %get3A_177, %add3A_181 : vector<1024x128xf32>
    %swap3A_183 = arith.constant 11 : index
    %swap3A_184 = arith.constant 0 : index
    %swap3A_185 = arith.constant 0 : index
    %swap3A_186 = vector.load %arg4[%swap3A_183, %swap3A_184, %swap3A_185] : memref<16x1024x128xf32, #tpu.memory_space<vmem>>, vector<1x1024x128xf32>
    %swap3A_187 = vector.shape_cast %swap3A_186 : vector<1x1024x128xf32> to vector<1024x128xf32>
    %swap3A_188 = vector.shape_cast %add3A_182 : vector<1024x128xf32> to vector<1x1024x128xf32>
    tpu.vector_store %arg4[%swap3A_183, %swap3A_184, %swap3A_185], %swap3A_188 {strides = array<i32>} : memref<16x1024x128xf32, #tpu.memory_space<vmem>>, vector<1x1024x128xf32>,
    %get3A_189 = arith.constant 12 : index
    %get3A_190 = arith.constant 0 : index
    %get3A_191 = arith.constant 0 : index
    %get3A_192 = vector.load %arg1[%get3A_189, %get3A_190, %get3A_191] : memref<16x1024x128xf32, #tpu.memory_space<vmem>>, vector<1x1024x128xf32>
    %get3A_193 = vector.shape_cast %get3A_192 : vector<1x1024x128xf32> to vector<1024x128xf32>
    %get3A_194 = arith.constant 12 : index
    %get3A_195 = arith.constant 0 : index
    %get3A_196 = vector.load %arg2[%get3A_194, %get3A_195] : memref<16x128xf32, #tpu.memory_space<vmem>>, vector<1x128xf32>
    %add3A_197 = vector.broadcast %get3A_196 : vector<1x128xf32> to vector<1024x128xf32>
    %add3A_198 = arith.addf %get3A_193, %add3A_197 : vector<1024x128xf32>
    %swap3A_199 = arith.constant 12 : index
    %swap3A_200 = arith.constant 0 : index
    %swap3A_201 = arith.constant 0 : index
    %swap3A_202 = vector.load %arg4[%swap3A_199, %swap3A_200, %swap3A_201] : memref<16x1024x128xf32, #tpu.memory_space<vmem>>, vector<1x1024x128xf32>
    %swap3A_203 = vector.shape_cast %swap3A_202 : vector<1x1024x128xf32> to vector<1024x128xf32>
    %swap3A_204 = vector.shape_cast %add3A_198 : vector<1024x128xf32> to vector<1x1024x128xf32>
    tpu.vector_store %arg4[%swap3A_199, %swap3A_200, %swap3A_201], %swap3A_204 {strides = array<i32>} : memref<16x1024x128xf32, #tpu.memory_space<vmem>>, vector<1x1024x128xf32>,
    %get3A_205 = arith.constant 13 : index
    %get3A_206 = arith.constant 0 : index
    %get3A_207 = arith.constant 0 : index
    %get3A_208 = vector.load %arg1[%get3A_205, %get3A_206, %get3A_207] : memref<16x1024x128xf32, #tpu.memory_space<vmem>>, vector<1x1024x128xf32>
    %get3A_209 = vector.shape_cast %get3A_208 : vector<1x1024x128xf32> to vector<1024x128xf32>
    %get3A_210 = arith.constant 13 : index
    %get3A_211 = arith.constant 0 : index
    %get3A_212 = vector.load %arg2[%get3A_210, %get3A_211] : memref<16x128xf32, #tpu.memory_space<vmem>>, vector<1x128xf32>
    %add3A_213 = vector.broadcast %get3A_212 : vector<1x128xf32> to vector<1024x128xf32>
    %add3A_214 = arith.addf %get3A_209, %add3A_213 : vector<1024x128xf32>
    %swap3A_215 = arith.constant 13 : index
    %swap3A_216 = arith.constant 0 : index
    %swap3A_217 = arith.constant 0 : index
    %swap3A_218 = vector.load %arg4[%swap3A_215, %swap3A_216, %swap3A_217] : memref<16x1024x128xf32, #tpu.memory_space<vmem>>, vector<1x1024x128xf32>
    %swap3A_219 = vector.shape_cast %swap3A_218 : vector<1x1024x128xf32> to vector<1024x128xf32>
    %swap3A_220 = vector.shape_cast %add3A_214 : vector<1024x128xf32> to vector<1x1024x128xf32>
    tpu.vector_store %arg4[%swap3A_215, %swap3A_216, %swap3A_217], %swap3A_220 {strides = array<i32>} : memref<16x1024x128xf32, #tpu.memory_space<vmem>>, vector<1x1024x128xf32>,
    %get3A_221 = arith.constant 14 : index
    %get3A_222 = arith.constant 0 : index
    %get3A_223 = arith.constant 0 : index
    %get3A_224 = vector.load %arg1[%get3A_221, %get3A_222, %get3A_223] : memref<16x1024x128xf32, #tpu.memory_space<vmem>>, vector<1x1024x128xf32>
    %get3A_225 = vector.shape_cast %get3A_224 : vector<1x1024x128xf32> to vector<1024x128xf32>
    %get3A_226 = arith.constant 14 : index
    %get3A_227 = arith.constant 0 : index
    %get3A_228 = vector.load %arg2[%get3A_226, %get3A_227] : memref<16x128xf32, #tpu.memory_space<vmem>>, vector<1x128xf32>
    %add3A_229 = vector.broadcast %get3A_228 : vector<1x128xf32> to vector<1024x128xf32>
    %add3A_230 = arith.addf %get3A_225, %add3A_229 : vector<1024x128xf32>
    %swap3A_231 = arith.constant 14 : index
    %swap3A_232 = arith.constant 0 : index
    %swap3A_233 = arith.constant 0 : index
    %swap3A_234 = vector.load %arg4[%swap3A_231, %swap3A_232, %swap3A_233] : memref<16x1024x128xf32, #tpu.memory_space<vmem>>, vector<1x1024x128xf32>
    %swap3A_235 = vector.shape_cast %swap3A_234 : vector<1x1024x128xf32> to vector<1024x128xf32>
    %swap3A_236 = vector.shape_cast %add3A_230 : vector<1024x128xf32> to vector<1x1024x128xf32>
    tpu.vector_store %arg4[%swap3A_231, %swap3A_232, %swap3A_233], %swap3A_236 {strides = array<i32>} : memref<16x1024x128xf32, #tpu.memory_space<vmem>>, vector<1x1024x128xf32>,
    %get3A_237 = arith.constant 15 : index
    %get3A_238 = arith.constant 0 : index
    %get3A_239 = arith.constant 0 : index
    %get3A_240 = vector.load %arg1[%get3A_237, %get3A_238, %get3A_239] : memref<16x1024x128xf32, #tpu.memory_space<vmem>>, vector<1x1024x128xf32>
    %get3A_241 = vector.shape_cast %get3A_240 : vector<1x1024x128xf32> to vector<1024x128xf32>
    %get3A_242 = arith.constant 15 : index
    %get3A_243 = arith.constant 0 : index
    %get3A_244 = vector.load %arg2[%get3A_242, %get3A_243] : memref<16x128xf32, #tpu.memory_space<vmem>>, vector<1x128xf32>
    %add3A_245 = vector.broadcast %get3A_244 : vector<1x128xf32> to vector<1024x128xf32>
    %add3A_246 = arith.addf %get3A_241, %add3A_245 : vector<1024x128xf32>
    %swap3A_247 = arith.constant 15 : index
    %swap3A_248 = arith.constant 0 : index
    %swap3A_249 = arith.constant 0 : index
    %swap3A_250 = vector.load %arg4[%swap3A_247, %swap3A_248, %swap3A_249] : memref<16x1024x128xf32, #tpu.memory_space<vmem>>, vector<1x1024x128xf32>
    %swap3A_251 = vector.shape_cast %swap3A_250 : vector<1x1024x128xf32> to vector<1024x128xf32>
    %swap3A_252 = vector.shape_cast %add3A_246 : vector<1024x128xf32> to vector<1x1024x128xf32>
    tpu.vector_store %arg4[%swap3A_247, %swap3A_248, %swap3A_249], %swap3A_252 {strides = array<i32>} : memref<16x1024x128xf32, #tpu.memory_space<vmem>>, vector<1x1024x128xf32>,
    return
  }
  func.func @transform_0(%arg0: i32) -> (i32, i32, i32) {
    %add3A = arith.constant 2 : i32
    %add3A_0 = arith.addi %arg0, %add3A : i32
    %c0_i32 = arith.constant 0 : i32
    %c0_i32_1 = arith.constant 0 : i32
    %c0_i32_2 = arith.constant 0 : i32
    return %add3A_0, %c0_i32, %c0_i32_1 : i32, i32, i32
  }
  func.func @transform_1(%arg0: i32) -> (i32, i32) {
    %c0_i32 = arith.constant 0 : i32
    %c0_i32_0 = arith.constant 0 : i32
    return %arg0, %c0_i32 : i32, i32
  }
  func.func @transform_3(%arg0: i32) -> (i32, i32, i32) {
    %add3A = arith.constant 2 : i32
    %add3A_0 = arith.addi %arg0, %add3A : i32
    %c0_i32 = arith.constant 0 : i32
    %c0_i32_1 = arith.constant 0 : i32
    %c0_i32_2 = arith.constant 0 : i32
    return %add3A_0, %c0_i32, %c0_i32_1 : i32, i32, i32
  }
}

module attributes {stable_mosaic.version = 14 : i64} {
  func.func @_add_body1(%arg0: i32, %arg1: memref<8x24xi32, #tpu.memory_space<smem>>, %arg2: memref<16x1024x128xf32, #tpu.memory_space<vmem>>, %arg3: memref<8x128xf32, #tpu.memory_space<vmem>>, %arg4: memref<8x128xf32, #tpu.memory_space<vmem>>, %arg5: memref<8x128xf32, #tpu.memory_space<vmem>>, %arg6: memref<8x128xf32, #tpu.memory_space<vmem>>, %arg7: memref<8x128xf32, #tpu.memory_space<vmem>>, %arg8: memref<8x128xf32, #tpu.memory_space<vmem>>, %arg9: memref<8x128xf32, #tpu.memory_space<vmem>>, %arg10: memref<8x128xf32, #tpu.memory_space<vmem>>, %arg11: memref<8x128xf32, #tpu.memory_space<vmem>>, %arg12: memref<8x128xf32, #tpu.memory_space<vmem>>, %arg13: memref<8x128xf32, #tpu.memory_space<vmem>>, %arg14: memref<8x128xf32, #tpu.memory_space<vmem>>, %arg15: memref<8x128xf32, #tpu.memory_space<vmem>>, %arg16: memref<8x128xf32, #tpu.memory_space<vmem>>, %arg17: memref<8x128xf32, #tpu.memory_space<vmem>>, %arg18: memref<8x128xf32, #tpu.memory_space<vmem>>, %arg19: memref<16x1024x128xf32, #tpu.memory_space<vmem>>) attributes {dimension_semantics = [#tpu.dimension_semantics<arbitrary>], iteration_bounds = array<i64: 2>, scalar_prefetch = 1 : i64, scratch_operands = 0 : i64, tpu.core_type = #tpu.core_type<tc>, window_params = [{transform_indices = @transform_0, window_bounds = array<i64: 16, 1024, 128>}, {transform_indices = @transform_1, window_bounds = array<i64: 8, 128>}, {transform_indices = @transform_2, window_bounds = array<i64: 8, 128>}, {transform_indices = @transform_3, window_bounds = array<i64: 8, 128>}, {transform_indices = @transform_4, window_bounds = array<i64: 8, 128>}, {transform_indices = @transform_5, window_bounds = array<i64: 8, 128>}, {transform_indices = @transform_6, window_bounds = array<i64: 8, 128>}, {transform_indices = @transform_7, window_bounds = array<i64: 8, 128>}, {transform_indices = @transform_8, window_bounds = array<i64: 8, 128>}, {transform_indices = @transform_9, window_bounds = array<i64: 8, 128>}, {transform_indices = @transform_10, window_bounds = array<i64: 8, 128>}, {transform_indices = @transform_11, window_bounds = array<i64: 8, 128>}, {transform_indices = @transform_12, window_bounds = array<i64: 8, 128>}, {transform_indices = @transform_13, window_bounds = array<i64: 8, 128>}, {transform_indices = @transform_14, window_bounds = array<i64: 8, 128>}, {transform_indices = @transform_15, window_bounds = array<i64: 8, 128>}, {transform_indices = @transform_16, window_bounds = array<i64: 8, 128>}, {transform_indices = @transform_17, window_bounds = array<i64: 16, 1024, 128>}]} {
    %mul3A = arith.constant 16 : i32
    %mul3A_0 = arith.muli %arg0, %mul3A : i32
    %add3A = arith.constant 0 : i32
    %add3A_1 = arith.addi %mul3A_0, %add3A : i32
    %jit3A = arith.constant 24 : i32
    %div3A = arith.divsi %add3A_1, %jit3A : i32
    %sign3A = arith.constant 0 : i32
    %sign3A_2 = arith.cmpi sgt, %add3A_1, %sign3A : i32
    %sign3A_3 = arith.extui %sign3A_2 : i1 to i32
    %sign3A_4 = arith.constant 0 : i32
    %sign3A_5 = arith.cmpi slt, %add3A_1, %sign3A_4 : i32
    %sign3A_6 = arith.extui %sign3A_5 : i1 to i32
    %sign3A_7 = arith.subi %sign3A_3, %sign3A_6 : i32
    %sign3A_8 = arith.constant 0 : i32
    %sign3A_9 = arith.cmpi sgt, %jit3A, %sign3A_8 : i32
    %sign3A_10 = arith.extui %sign3A_9 : i1 to i32
    %sign3A_11 = arith.constant 0 : i32
    %sign3A_12 = arith.cmpi slt, %jit3A, %sign3A_11 : i32
    %sign3A_13 = arith.extui %sign3A_12 : i1 to i32
    %sign3A_14 = arith.subi %sign3A_10, %sign3A_13 : i32
    %ne3A = arith.cmpi ne, %sign3A_7, %sign3A_14 : i32
    %rem3A = arith.remsi %add3A_1, %jit3A : i32
    %ne3A_15 = arith.constant 0 : i32
    %ne3A_16 = arith.cmpi ne, %rem3A, %ne3A_15 : i32
    %and3A = arith.andi %ne3A, %ne3A_16 : i1
    %sub3A = arith.constant 1 : i32
    %sub3A_17 = arith.subi %div3A, %sub3A : i32
    %select_n3A = arith.select %and3A, %sub3A_17, %div3A : i32
    %jit3A_18 = arith.constant 24 : i32
    %eq3A = arith.constant 0 : i32
    %eq3A_19 = arith.cmpi eq, %jit3A_18, %eq3A : i32
    %jit3A_20 = arith.constant 1 : i32
    %select_n3A_21 = arith.select %eq3A_19, %jit3A_20, %jit3A_18 : i32
    %rem3A_22 = arith.remsi %add3A_1, %select_n3A_21 : i32
    %ne3A_23 = arith.constant 0 : i32
    %ne3A_24 = arith.cmpi ne, %rem3A_22, %ne3A_23 : i32
    %lt3A = arith.constant 0 : i32
    %lt3A_25 = arith.cmpi slt, %rem3A_22, %lt3A : i32
    %lt3A_26 = arith.constant 0 : i32
    %lt3A_27 = arith.cmpi slt, %select_n3A_21, %lt3A_26 : i32
    %ne3A_28 = arith.xori %lt3A_25, %lt3A_27 : i1
    %and3A_29 = arith.andi %ne3A_28, %ne3A_24 : i1
    %add3A_30 = arith.addi %rem3A_22, %select_n3A_21 : i32
    %select_n3A_31 = arith.select %and3A_29, %add3A_30, %rem3A_22 : i32
    %get3A = arith.index_cast %select_n3A : i32 to index
    %get3A_32 = arith.index_cast %select_n3A_31 : i32 to index
    %get3A_33 = memref.load %arg1[%get3A, %get3A_32] : memref<8x24xi32, #tpu.memory_space<smem>>
    %jit3A_34 = arith.constant 8 : i32
    %eq3A_35 = arith.constant 0 : i32
    %eq3A_36 = arith.cmpi eq, %jit3A_34, %eq3A_35 : i32
    %jit3A_37 = arith.constant 1 : i32
    %select_n3A_38 = arith.select %eq3A_36, %jit3A_37, %jit3A_34 : i32
    %rem3A_39 = arith.remsi %get3A_33, %select_n3A_38 : i32
    %ne3A_40 = arith.constant 0 : i32
    %ne3A_41 = arith.cmpi ne, %rem3A_39, %ne3A_40 : i32
    %lt3A_42 = arith.constant 0 : i32
    %lt3A_43 = arith.cmpi slt, %rem3A_39, %lt3A_42 : i32
    %lt3A_44 = arith.constant 0 : i32
    %lt3A_45 = arith.cmpi slt, %select_n3A_38, %lt3A_44 : i32
    %ne3A_46 = arith.xori %lt3A_43, %lt3A_45 : i1
    %and3A_47 = arith.andi %ne3A_46, %ne3A_41 : i1
    %add3A_48 = arith.addi %rem3A_39, %select_n3A_38 : i32
    %select_n3A_49 = arith.select %and3A_47, %add3A_48, %rem3A_39 : i32
    %get3A_50 = arith.constant 0 : index
    %get3A_51 = arith.constant 0 : index
    %get3A_52 = arith.constant 0 : index
    %get3A_53 = vector.load %arg2[%get3A_50, %get3A_51, %get3A_52] : memref<16x1024x128xf32, #tpu.memory_space<vmem>>, vector<1x1024x128xf32>
    %get3A_54 = vector.shape_cast %get3A_53 : vector<1x1024x128xf32> to vector<1024x128xf32>
    %get3A_55 = arith.index_cast %select_n3A_49 : i32 to index
    %get3A_56 = arith.constant 0 : index
    %get3A_57 = vector.load %arg3[%get3A_55, %get3A_56] : memref<8x128xf32, #tpu.memory_space<vmem>>, vector<1x128xf32>
    %add3A_58 = vector.broadcast %get3A_57 : vector<1x128xf32> to vector<1024x128xf32>
    %add3A_59 = arith.addf %get3A_54, %add3A_58 : vector<1024x128xf32>
    %swap3A = arith.constant 0 : index
    %swap3A_60 = arith.constant 0 : index
    %swap3A_61 = arith.constant 0 : index
    %swap3A_62 = vector.load %arg19[%swap3A, %swap3A_60, %swap3A_61] : memref<16x1024x128xf32, #tpu.memory_space<vmem>>, vector<1x1024x128xf32>
    %swap3A_63 = vector.shape_cast %swap3A_62 : vector<1x1024x128xf32> to vector<1024x128xf32>
    %swap3A_64 = vector.shape_cast %add3A_59 : vector<1024x128xf32> to vector<1x1024x128xf32>
    tpu.vector_store %arg19[%swap3A, %swap3A_60, %swap3A_61], %swap3A_64 {strides = array<i32>} : memref<16x1024x128xf32, #tpu.memory_space<vmem>>, vector<1x1024x128xf32>,
    %mul3A_65 = arith.constant 16 : i32
    %mul3A_66 = arith.muli %arg0, %mul3A_65 : i32
    %add3A_67 = arith.constant 1 : i32
    %add3A_68 = arith.addi %mul3A_66, %add3A_67 : i32
    %jit3A_69 = arith.constant 24 : i32
    %div3A_70 = arith.divsi %add3A_68, %jit3A_69 : i32
    %sign3A_71 = arith.constant 0 : i32
    %sign3A_72 = arith.cmpi sgt, %add3A_68, %sign3A_71 : i32
    %sign3A_73 = arith.extui %sign3A_72 : i1 to i32
    %sign3A_74 = arith.constant 0 : i32
    %sign3A_75 = arith.cmpi slt, %add3A_68, %sign3A_74 : i32
    %sign3A_76 = arith.extui %sign3A_75 : i1 to i32
    %sign3A_77 = arith.subi %sign3A_73, %sign3A_76 : i32
    %sign3A_78 = arith.constant 0 : i32
    %sign3A_79 = arith.cmpi sgt, %jit3A_69, %sign3A_78 : i32
    %sign3A_80 = arith.extui %sign3A_79 : i1 to i32
    %sign3A_81 = arith.constant 0 : i32
    %sign3A_82 = arith.cmpi slt, %jit3A_69, %sign3A_81 : i32
    %sign3A_83 = arith.extui %sign3A_82 : i1 to i32
    %sign3A_84 = arith.subi %sign3A_80, %sign3A_83 : i32
    %ne3A_85 = arith.cmpi ne, %sign3A_77, %sign3A_84 : i32
    %rem3A_86 = arith.remsi %add3A_68, %jit3A_69 : i32
    %ne3A_87 = arith.constant 0 : i32
    %ne3A_88 = arith.cmpi ne, %rem3A_86, %ne3A_87 : i32
    %and3A_89 = arith.andi %ne3A_85, %ne3A_88 : i1
    %sub3A_90 = arith.constant 1 : i32
    %sub3A_91 = arith.subi %div3A_70, %sub3A_90 : i32
    %select_n3A_92 = arith.select %and3A_89, %sub3A_91, %div3A_70 : i32
    %jit3A_93 = arith.constant 24 : i32
    %eq3A_94 = arith.constant 0 : i32
    %eq3A_95 = arith.cmpi eq, %jit3A_93, %eq3A_94 : i32
    %jit3A_96 = arith.constant 1 : i32
    %select_n3A_97 = arith.select %eq3A_95, %jit3A_96, %jit3A_93 : i32
    %rem3A_98 = arith.remsi %add3A_68, %select_n3A_97 : i32
    %ne3A_99 = arith.constant 0 : i32
    %ne3A_100 = arith.cmpi ne, %rem3A_98, %ne3A_99 : i32
    %lt3A_101 = arith.constant 0 : i32
    %lt3A_102 = arith.cmpi slt, %rem3A_98, %lt3A_101 : i32
    %lt3A_103 = arith.constant 0 : i32
    %lt3A_104 = arith.cmpi slt, %select_n3A_97, %lt3A_103 : i32
    %ne3A_105 = arith.xori %lt3A_102, %lt3A_104 : i1
    %and3A_106 = arith.andi %ne3A_105, %ne3A_100 : i1
    %add3A_107 = arith.addi %rem3A_98, %select_n3A_97 : i32
    %select_n3A_108 = arith.select %and3A_106, %add3A_107, %rem3A_98 : i32
    %get3A_109 = arith.index_cast %select_n3A_92 : i32 to index
    %get3A_110 = arith.index_cast %select_n3A_108 : i32 to index
    %get3A_111 = memref.load %arg1[%get3A_109, %get3A_110] : memref<8x24xi32, #tpu.memory_space<smem>>
    %jit3A_112 = arith.constant 8 : i32
    %eq3A_113 = arith.constant 0 : i32
    %eq3A_114 = arith.cmpi eq, %jit3A_112, %eq3A_113 : i32
    %jit3A_115 = arith.constant 1 : i32
    %select_n3A_116 = arith.select %eq3A_114, %jit3A_115, %jit3A_112 : i32
    %rem3A_117 = arith.remsi %get3A_111, %select_n3A_116 : i32
    %ne3A_118 = arith.constant 0 : i32
    %ne3A_119 = arith.cmpi ne, %rem3A_117, %ne3A_118 : i32
    %lt3A_120 = arith.constant 0 : i32
    %lt3A_121 = arith.cmpi slt, %rem3A_117, %lt3A_120 : i32
    %lt3A_122 = arith.constant 0 : i32
    %lt3A_123 = arith.cmpi slt, %select_n3A_116, %lt3A_122 : i32
    %ne3A_124 = arith.xori %lt3A_121, %lt3A_123 : i1
    %and3A_125 = arith.andi %ne3A_124, %ne3A_119 : i1
    %add3A_126 = arith.addi %rem3A_117, %select_n3A_116 : i32
    %select_n3A_127 = arith.select %and3A_125, %add3A_126, %rem3A_117 : i32
    %get3A_128 = arith.constant 1 : index
    %get3A_129 = arith.constant 0 : index
    %get3A_130 = arith.constant 0 : index
    %get3A_131 = vector.load %arg2[%get3A_128, %get3A_129, %get3A_130] : memref<16x1024x128xf32, #tpu.memory_space<vmem>>, vector<1x1024x128xf32>
    %get3A_132 = vector.shape_cast %get3A_131 : vector<1x1024x128xf32> to vector<1024x128xf32>
    %get3A_133 = arith.index_cast %select_n3A_127 : i32 to index
    %get3A_134 = arith.constant 0 : index
    %get3A_135 = vector.load %arg4[%get3A_133, %get3A_134] : memref<8x128xf32, #tpu.memory_space<vmem>>, vector<1x128xf32>
    %add3A_136 = vector.broadcast %get3A_135 : vector<1x128xf32> to vector<1024x128xf32>
    %add3A_137 = arith.addf %get3A_132, %add3A_136 : vector<1024x128xf32>
    %swap3A_138 = arith.constant 1 : index
    %swap3A_139 = arith.constant 0 : index
    %swap3A_140 = arith.constant 0 : index
    %swap3A_141 = vector.load %arg19[%swap3A_138, %swap3A_139, %swap3A_140] : memref<16x1024x128xf32, #tpu.memory_space<vmem>>, vector<1x1024x128xf32>
    %swap3A_142 = vector.shape_cast %swap3A_141 : vector<1x1024x128xf32> to vector<1024x128xf32>
    %swap3A_143 = vector.shape_cast %add3A_137 : vector<1024x128xf32> to vector<1x1024x128xf32>
    tpu.vector_store %arg19[%swap3A_138, %swap3A_139, %swap3A_140], %swap3A_143 {strides = array<i32>} : memref<16x1024x128xf32, #tpu.memory_space<vmem>>, vector<1x1024x128xf32>,
    %mul3A_144 = arith.constant 16 : i32
    %mul3A_145 = arith.muli %arg0, %mul3A_144 : i32
    %add3A_146 = arith.constant 2 : i32
    %add3A_147 = arith.addi %mul3A_145, %add3A_146 : i32
    %jit3A_148 = arith.constant 24 : i32
    %div3A_149 = arith.divsi %add3A_147, %jit3A_148 : i32
    %sign3A_150 = arith.constant 0 : i32
    %sign3A_151 = arith.cmpi sgt, %add3A_147, %sign3A_150 : i32
    %sign3A_152 = arith.extui %sign3A_151 : i1 to i32
    %sign3A_153 = arith.constant 0 : i32
    %sign3A_154 = arith.cmpi slt, %add3A_147, %sign3A_153 : i32
    %sign3A_155 = arith.extui %sign3A_154 : i1 to i32
    %sign3A_156 = arith.subi %sign3A_152, %sign3A_155 : i32
    %sign3A_157 = arith.constant 0 : i32
    %sign3A_158 = arith.cmpi sgt, %jit3A_148, %sign3A_157 : i32
    %sign3A_159 = arith.extui %sign3A_158 : i1 to i32
    %sign3A_160 = arith.constant 0 : i32
    %sign3A_161 = arith.cmpi slt, %jit3A_148, %sign3A_160 : i32
    %sign3A_162 = arith.extui %sign3A_161 : i1 to i32
    %sign3A_163 = arith.subi %sign3A_159, %sign3A_162 : i32
    %ne3A_164 = arith.cmpi ne, %sign3A_156, %sign3A_163 : i32
    %rem3A_165 = arith.remsi %add3A_147, %jit3A_148 : i32
    %ne3A_166 = arith.constant 0 : i32
    %ne3A_167 = arith.cmpi ne, %rem3A_165, %ne3A_166 : i32
    %and3A_168 = arith.andi %ne3A_164, %ne3A_167 : i1
    %sub3A_169 = arith.constant 1 : i32
    %sub3A_170 = arith.subi %div3A_149, %sub3A_169 : i32
    %select_n3A_171 = arith.select %and3A_168, %sub3A_170, %div3A_149 : i32
    %jit3A_172 = arith.constant 24 : i32
    %eq3A_173 = arith.constant 0 : i32
    %eq3A_174 = arith.cmpi eq, %jit3A_172, %eq3A_173 : i32
    %jit3A_175 = arith.constant 1 : i32
    %select_n3A_176 = arith.select %eq3A_174, %jit3A_175, %jit3A_172 : i32
    %rem3A_177 = arith.remsi %add3A_147, %select_n3A_176 : i32
    %ne3A_178 = arith.constant 0 : i32
    %ne3A_179 = arith.cmpi ne, %rem3A_177, %ne3A_178 : i32
    %lt3A_180 = arith.constant 0 : i32
    %lt3A_181 = arith.cmpi slt, %rem3A_177, %lt3A_180 : i32
    %lt3A_182 = arith.constant 0 : i32
    %lt3A_183 = arith.cmpi slt, %select_n3A_176, %lt3A_182 : i32
    %ne3A_184 = arith.xori %lt3A_181, %lt3A_183 : i1
    %and3A_185 = arith.andi %ne3A_184, %ne3A_179 : i1
    %add3A_186 = arith.addi %rem3A_177, %select_n3A_176 : i32
    %select_n3A_187 = arith.select %and3A_185, %add3A_186, %rem3A_177 : i32
    %get3A_188 = arith.index_cast %select_n3A_171 : i32 to index
    %get3A_189 = arith.index_cast %select_n3A_187 : i32 to index
    %get3A_190 = memref.load %arg1[%get3A_188, %get3A_189] : memref<8x24xi32, #tpu.memory_space<smem>>
    %jit3A_191 = arith.constant 8 : i32
    %eq3A_192 = arith.constant 0 : i32
    %eq3A_193 = arith.cmpi eq, %jit3A_191, %eq3A_192 : i32
    %jit3A_194 = arith.constant 1 : i32
    %select_n3A_195 = arith.select %eq3A_193, %jit3A_194, %jit3A_191 : i32
    %rem3A_196 = arith.remsi %get3A_190, %select_n3A_195 : i32
    %ne3A_197 = arith.constant 0 : i32
    %ne3A_198 = arith.cmpi ne, %rem3A_196, %ne3A_197 : i32
    %lt3A_199 = arith.constant 0 : i32
    %lt3A_200 = arith.cmpi slt, %rem3A_196, %lt3A_199 : i32
    %lt3A_201 = arith.constant 0 : i32
    %lt3A_202 = arith.cmpi slt, %select_n3A_195, %lt3A_201 : i32
    %ne3A_203 = arith.xori %lt3A_200, %lt3A_202 : i1
    %and3A_204 = arith.andi %ne3A_203, %ne3A_198 : i1
    %add3A_205 = arith.addi %rem3A_196, %select_n3A_195 : i32
    %select_n3A_206 = arith.select %and3A_204, %add3A_205, %rem3A_196 : i32
    %get3A_207 = arith.constant 2 : index
    %get3A_208 = arith.constant 0 : index
    %get3A_209 = arith.constant 0 : index
    %get3A_210 = vector.load %arg2[%get3A_207, %get3A_208, %get3A_209] : memref<16x1024x128xf32, #tpu.memory_space<vmem>>, vector<1x1024x128xf32>
    %get3A_211 = vector.shape_cast %get3A_210 : vector<1x1024x128xf32> to vector<1024x128xf32>
    %get3A_212 = arith.index_cast %select_n3A_206 : i32 to index
    %get3A_213 = arith.constant 0 : index
    %get3A_214 = vector.load %arg5[%get3A_212, %get3A_213] : memref<8x128xf32, #tpu.memory_space<vmem>>, vector<1x128xf32>
    %add3A_215 = vector.broadcast %get3A_214 : vector<1x128xf32> to vector<1024x128xf32>
    %add3A_216 = arith.addf %get3A_211, %add3A_215 : vector<1024x128xf32>
    %swap3A_217 = arith.constant 2 : index
    %swap3A_218 = arith.constant 0 : index
    %swap3A_219 = arith.constant 0 : index
    %swap3A_220 = vector.load %arg19[%swap3A_217, %swap3A_218, %swap3A_219] : memref<16x1024x128xf32, #tpu.memory_space<vmem>>, vector<1x1024x128xf32>
    %swap3A_221 = vector.shape_cast %swap3A_220 : vector<1x1024x128xf32> to vector<1024x128xf32>
    %swap3A_222 = vector.shape_cast %add3A_216 : vector<1024x128xf32> to vector<1x1024x128xf32>
    tpu.vector_store %arg19[%swap3A_217, %swap3A_218, %swap3A_219], %swap3A_222 {strides = array<i32>} : memref<16x1024x128xf32, #tpu.memory_space<vmem>>, vector<1x1024x128xf32>,
    %mul3A_223 = arith.constant 16 : i32
    %mul3A_224 = arith.muli %arg0, %mul3A_223 : i32
    %add3A_225 = arith.constant 3 : i32
    %add3A_226 = arith.addi %mul3A_224, %add3A_225 : i32
    %jit3A_227 = arith.constant 24 : i32
    %div3A_228 = arith.divsi %add3A_226, %jit3A_227 : i32
    %sign3A_229 = arith.constant 0 : i32
    %sign3A_230 = arith.cmpi sgt, %add3A_226, %sign3A_229 : i32
    %sign3A_231 = arith.extui %sign3A_230 : i1 to i32
    %sign3A_232 = arith.constant 0 : i32
    %sign3A_233 = arith.cmpi slt, %add3A_226, %sign3A_232 : i32
    %sign3A_234 = arith.extui %sign3A_233 : i1 to i32
    %sign3A_235 = arith.subi %sign3A_231, %sign3A_234 : i32
    %sign3A_236 = arith.constant 0 : i32
    %sign3A_237 = arith.cmpi sgt, %jit3A_227, %sign3A_236 : i32
    %sign3A_238 = arith.extui %sign3A_237 : i1 to i32
    %sign3A_239 = arith.constant 0 : i32
    %sign3A_240 = arith.cmpi slt, %jit3A_227, %sign3A_239 : i32
    %sign3A_241 = arith.extui %sign3A_240 : i1 to i32
    %sign3A_242 = arith.subi %sign3A_238, %sign3A_241 : i32
    %ne3A_243 = arith.cmpi ne, %sign3A_235, %sign3A_242 : i32
    %rem3A_244 = arith.remsi %add3A_226, %jit3A_227 : i32
    %ne3A_245 = arith.constant 0 : i32
    %ne3A_246 = arith.cmpi ne, %rem3A_244, %ne3A_245 : i32
    %and3A_247 = arith.andi %ne3A_243, %ne3A_246 : i1
    %sub3A_248 = arith.constant 1 : i32
    %sub3A_249 = arith.subi %div3A_228, %sub3A_248 : i32
    %select_n3A_250 = arith.select %and3A_247, %sub3A_249, %div3A_228 : i32
    %jit3A_251 = arith.constant 24 : i32
    %eq3A_252 = arith.constant 0 : i32
    %eq3A_253 = arith.cmpi eq, %jit3A_251, %eq3A_252 : i32
    %jit3A_254 = arith.constant 1 : i32
    %select_n3A_255 = arith.select %eq3A_253, %jit3A_254, %jit3A_251 : i32
    %rem3A_256 = arith.remsi %add3A_226, %select_n3A_255 : i32
    %ne3A_257 = arith.constant 0 : i32
    %ne3A_258 = arith.cmpi ne, %rem3A_256, %ne3A_257 : i32
    %lt3A_259 = arith.constant 0 : i32
    %lt3A_260 = arith.cmpi slt, %rem3A_256, %lt3A_259 : i32
    %lt3A_261 = arith.constant 0 : i32
    %lt3A_262 = arith.cmpi slt, %select_n3A_255, %lt3A_261 : i32
    %ne3A_263 = arith.xori %lt3A_260, %lt3A_262 : i1
    %and3A_264 = arith.andi %ne3A_263, %ne3A_258 : i1
    %add3A_265 = arith.addi %rem3A_256, %select_n3A_255 : i32
    %select_n3A_266 = arith.select %and3A_264, %add3A_265, %rem3A_256 : i32
    %get3A_267 = arith.index_cast %select_n3A_250 : i32 to index
    %get3A_268 = arith.index_cast %select_n3A_266 : i32 to index
    %get3A_269 = memref.load %arg1[%get3A_267, %get3A_268] : memref<8x24xi32, #tpu.memory_space<smem>>
    %jit3A_270 = arith.constant 8 : i32
    %eq3A_271 = arith.constant 0 : i32
    %eq3A_272 = arith.cmpi eq, %jit3A_270, %eq3A_271 : i32
    %jit3A_273 = arith.constant 1 : i32
    %select_n3A_274 = arith.select %eq3A_272, %jit3A_273, %jit3A_270 : i32
    %rem3A_275 = arith.remsi %get3A_269, %select_n3A_274 : i32
    %ne3A_276 = arith.constant 0 : i32
    %ne3A_277 = arith.cmpi ne, %rem3A_275, %ne3A_276 : i32
    %lt3A_278 = arith.constant 0 : i32
    %lt3A_279 = arith.cmpi slt, %rem3A_275, %lt3A_278 : i32
    %lt3A_280 = arith.constant 0 : i32
    %lt3A_281 = arith.cmpi slt, %select_n3A_274, %lt3A_280 : i32
    %ne3A_282 = arith.xori %lt3A_279, %lt3A_281 : i1
    %and3A_283 = arith.andi %ne3A_282, %ne3A_277 : i1
    %add3A_284 = arith.addi %rem3A_275, %select_n3A_274 : i32
    %select_n3A_285 = arith.select %and3A_283, %add3A_284, %rem3A_275 : i32
    %get3A_286 = arith.constant 3 : index
    %get3A_287 = arith.constant 0 : index
    %get3A_288 = arith.constant 0 : index
    %get3A_289 = vector.load %arg2[%get3A_286, %get3A_287, %get3A_288] : memref<16x1024x128xf32, #tpu.memory_space<vmem>>, vector<1x1024x128xf32>
    %get3A_290 = vector.shape_cast %get3A_289 : vector<1x1024x128xf32> to vector<1024x128xf32>
    %get3A_291 = arith.index_cast %select_n3A_285 : i32 to index
    %get3A_292 = arith.constant 0 : index
    %get3A_293 = vector.load %arg6[%get3A_291, %get3A_292] : memref<8x128xf32, #tpu.memory_space<vmem>>, vector<1x128xf32>
    %add3A_294 = vector.broadcast %get3A_293 : vector<1x128xf32> to vector<1024x128xf32>
    %add3A_295 = arith.addf %get3A_290, %add3A_294 : vector<1024x128xf32>
    %swap3A_296 = arith.constant 3 : index
    %swap3A_297 = arith.constant 0 : index
    %swap3A_298 = arith.constant 0 : index
    %swap3A_299 = vector.load %arg19[%swap3A_296, %swap3A_297, %swap3A_298] : memref<16x1024x128xf32, #tpu.memory_space<vmem>>, vector<1x1024x128xf32>
    %swap3A_300 = vector.shape_cast %swap3A_299 : vector<1x1024x128xf32> to vector<1024x128xf32>
    %swap3A_301 = vector.shape_cast %add3A_295 : vector<1024x128xf32> to vector<1x1024x128xf32>
    tpu.vector_store %arg19[%swap3A_296, %swap3A_297, %swap3A_298], %swap3A_301 {strides = array<i32>} : memref<16x1024x128xf32, #tpu.memory_space<vmem>>, vector<1x1024x128xf32>,
    %mul3A_302 = arith.constant 16 : i32
    %mul3A_303 = arith.muli %arg0, %mul3A_302 : i32
    %add3A_304 = arith.constant 4 : i32
    %add3A_305 = arith.addi %mul3A_303, %add3A_304 : i32
    %jit3A_306 = arith.constant 24 : i32
    %div3A_307 = arith.divsi %add3A_305, %jit3A_306 : i32
    %sign3A_308 = arith.constant 0 : i32
    %sign3A_309 = arith.cmpi sgt, %add3A_305, %sign3A_308 : i32
    %sign3A_310 = arith.extui %sign3A_309 : i1 to i32
    %sign3A_311 = arith.constant 0 : i32
    %sign3A_312 = arith.cmpi slt, %add3A_305, %sign3A_311 : i32
    %sign3A_313 = arith.extui %sign3A_312 : i1 to i32
    %sign3A_314 = arith.subi %sign3A_310, %sign3A_313 : i32
    %sign3A_315 = arith.constant 0 : i32
    %sign3A_316 = arith.cmpi sgt, %jit3A_306, %sign3A_315 : i32
    %sign3A_317 = arith.extui %sign3A_316 : i1 to i32
    %sign3A_318 = arith.constant 0 : i32
    %sign3A_319 = arith.cmpi slt, %jit3A_306, %sign3A_318 : i32
    %sign3A_320 = arith.extui %sign3A_319 : i1 to i32
    %sign3A_321 = arith.subi %sign3A_317, %sign3A_320 : i32
    %ne3A_322 = arith.cmpi ne, %sign3A_314, %sign3A_321 : i32
    %rem3A_323 = arith.remsi %add3A_305, %jit3A_306 : i32
    %ne3A_324 = arith.constant 0 : i32
    %ne3A_325 = arith.cmpi ne, %rem3A_323, %ne3A_324 : i32
    %and3A_326 = arith.andi %ne3A_322, %ne3A_325 : i1
    %sub3A_327 = arith.constant 1 : i32
    %sub3A_328 = arith.subi %div3A_307, %sub3A_327 : i32
    %select_n3A_329 = arith.select %and3A_326, %sub3A_328, %div3A_307 : i32
    %jit3A_330 = arith.constant 24 : i32
    %eq3A_331 = arith.constant 0 : i32
    %eq3A_332 = arith.cmpi eq, %jit3A_330, %eq3A_331 : i32
    %jit3A_333 = arith.constant 1 : i32
    %select_n3A_334 = arith.select %eq3A_332, %jit3A_333, %jit3A_330 : i32
    %rem3A_335 = arith.remsi %add3A_305, %select_n3A_334 : i32
    %ne3A_336 = arith.constant 0 : i32
    %ne3A_337 = arith.cmpi ne, %rem3A_335, %ne3A_336 : i32
    %lt3A_338 = arith.constant 0 : i32
    %lt3A_339 = arith.cmpi slt, %rem3A_335, %lt3A_338 : i32
    %lt3A_340 = arith.constant 0 : i32
    %lt3A_341 = arith.cmpi slt, %select_n3A_334, %lt3A_340 : i32
    %ne3A_342 = arith.xori %lt3A_339, %lt3A_341 : i1
    %and3A_343 = arith.andi %ne3A_342, %ne3A_337 : i1
    %add3A_344 = arith.addi %rem3A_335, %select_n3A_334 : i32
    %select_n3A_345 = arith.select %and3A_343, %add3A_344, %rem3A_335 : i32
    %get3A_346 = arith.index_cast %select_n3A_329 : i32 to index
    %get3A_347 = arith.index_cast %select_n3A_345 : i32 to index
    %get3A_348 = memref.load %arg1[%get3A_346, %get3A_347] : memref<8x24xi32, #tpu.memory_space<smem>>
    %jit3A_349 = arith.constant 8 : i32
    %eq3A_350 = arith.constant 0 : i32
    %eq3A_351 = arith.cmpi eq, %jit3A_349, %eq3A_350 : i32
    %jit3A_352 = arith.constant 1 : i32
    %select_n3A_353 = arith.select %eq3A_351, %jit3A_352, %jit3A_349 : i32
    %rem3A_354 = arith.remsi %get3A_348, %select_n3A_353 : i32
    %ne3A_355 = arith.constant 0 : i32
    %ne3A_356 = arith.cmpi ne, %rem3A_354, %ne3A_355 : i32
    %lt3A_357 = arith.constant 0 : i32
    %lt3A_358 = arith.cmpi slt, %rem3A_354, %lt3A_357 : i32
    %lt3A_359 = arith.constant 0 : i32
    %lt3A_360 = arith.cmpi slt, %select_n3A_353, %lt3A_359 : i32
    %ne3A_361 = arith.xori %lt3A_358, %lt3A_360 : i1
    %and3A_362 = arith.andi %ne3A_361, %ne3A_356 : i1
    %add3A_363 = arith.addi %rem3A_354, %select_n3A_353 : i32
    %select_n3A_364 = arith.select %and3A_362, %add3A_363, %rem3A_354 : i32
    %get3A_365 = arith.constant 4 : index
    %get3A_366 = arith.constant 0 : index
    %get3A_367 = arith.constant 0 : index
    %get3A_368 = vector.load %arg2[%get3A_365, %get3A_366, %get3A_367] : memref<16x1024x128xf32, #tpu.memory_space<vmem>>, vector<1x1024x128xf32>
    %get3A_369 = vector.shape_cast %get3A_368 : vector<1x1024x128xf32> to vector<1024x128xf32>
    %get3A_370 = arith.index_cast %select_n3A_364 : i32 to index
    %get3A_371 = arith.constant 0 : index
    %get3A_372 = vector.load %arg7[%get3A_370, %get3A_371] : memref<8x128xf32, #tpu.memory_space<vmem>>, vector<1x128xf32>
    %add3A_373 = vector.broadcast %get3A_372 : vector<1x128xf32> to vector<1024x128xf32>
    %add3A_374 = arith.addf %get3A_369, %add3A_373 : vector<1024x128xf32>
    %swap3A_375 = arith.constant 4 : index
    %swap3A_376 = arith.constant 0 : index
    %swap3A_377 = arith.constant 0 : index
    %swap3A_378 = vector.load %arg19[%swap3A_375, %swap3A_376, %swap3A_377] : memref<16x1024x128xf32, #tpu.memory_space<vmem>>, vector<1x1024x128xf32>
    %swap3A_379 = vector.shape_cast %swap3A_378 : vector<1x1024x128xf32> to vector<1024x128xf32>
    %swap3A_380 = vector.shape_cast %add3A_374 : vector<1024x128xf32> to vector<1x1024x128xf32>
    tpu.vector_store %arg19[%swap3A_375, %swap3A_376, %swap3A_377], %swap3A_380 {strides = array<i32>} : memref<16x1024x128xf32, #tpu.memory_space<vmem>>, vector<1x1024x128xf32>,
    %mul3A_381 = arith.constant 16 : i32
    %mul3A_382 = arith.muli %arg0, %mul3A_381 : i32
    %add3A_383 = arith.constant 5 : i32
    %add3A_384 = arith.addi %mul3A_382, %add3A_383 : i32
    %jit3A_385 = arith.constant 24 : i32
    %div3A_386 = arith.divsi %add3A_384, %jit3A_385 : i32
    %sign3A_387 = arith.constant 0 : i32
    %sign3A_388 = arith.cmpi sgt, %add3A_384, %sign3A_387 : i32
    %sign3A_389 = arith.extui %sign3A_388 : i1 to i32
    %sign3A_390 = arith.constant 0 : i32
    %sign3A_391 = arith.cmpi slt, %add3A_384, %sign3A_390 : i32
    %sign3A_392 = arith.extui %sign3A_391 : i1 to i32
    %sign3A_393 = arith.subi %sign3A_389, %sign3A_392 : i32
    %sign3A_394 = arith.constant 0 : i32
    %sign3A_395 = arith.cmpi sgt, %jit3A_385, %sign3A_394 : i32
    %sign3A_396 = arith.extui %sign3A_395 : i1 to i32
    %sign3A_397 = arith.constant 0 : i32
    %sign3A_398 = arith.cmpi slt, %jit3A_385, %sign3A_397 : i32
    %sign3A_399 = arith.extui %sign3A_398 : i1 to i32
    %sign3A_400 = arith.subi %sign3A_396, %sign3A_399 : i32
    %ne3A_401 = arith.cmpi ne, %sign3A_393, %sign3A_400 : i32
    %rem3A_402 = arith.remsi %add3A_384, %jit3A_385 : i32
    %ne3A_403 = arith.constant 0 : i32
    %ne3A_404 = arith.cmpi ne, %rem3A_402, %ne3A_403 : i32
    %and3A_405 = arith.andi %ne3A_401, %ne3A_404 : i1
    %sub3A_406 = arith.constant 1 : i32
    %sub3A_407 = arith.subi %div3A_386, %sub3A_406 : i32
    %select_n3A_408 = arith.select %and3A_405, %sub3A_407, %div3A_386 : i32
    %jit3A_409 = arith.constant 24 : i32
    %eq3A_410 = arith.constant 0 : i32
    %eq3A_411 = arith.cmpi eq, %jit3A_409, %eq3A_410 : i32
    %jit3A_412 = arith.constant 1 : i32
    %select_n3A_413 = arith.select %eq3A_411, %jit3A_412, %jit3A_409 : i32
    %rem3A_414 = arith.remsi %add3A_384, %select_n3A_413 : i32
    %ne3A_415 = arith.constant 0 : i32
    %ne3A_416 = arith.cmpi ne, %rem3A_414, %ne3A_415 : i32
    %lt3A_417 = arith.constant 0 : i32
    %lt3A_418 = arith.cmpi slt, %rem3A_414, %lt3A_417 : i32
    %lt3A_419 = arith.constant 0 : i32
    %lt3A_420 = arith.cmpi slt, %select_n3A_413, %lt3A_419 : i32
    %ne3A_421 = arith.xori %lt3A_418, %lt3A_420 : i1
    %and3A_422 = arith.andi %ne3A_421, %ne3A_416 : i1
    %add3A_423 = arith.addi %rem3A_414, %select_n3A_413 : i32
    %select_n3A_424 = arith.select %and3A_422, %add3A_423, %rem3A_414 : i32
    %get3A_425 = arith.index_cast %select_n3A_408 : i32 to index
    %get3A_426 = arith.index_cast %select_n3A_424 : i32 to index
    %get3A_427 = memref.load %arg1[%get3A_425, %get3A_426] : memref<8x24xi32, #tpu.memory_space<smem>>
    %jit3A_428 = arith.constant 8 : i32
    %eq3A_429 = arith.constant 0 : i32
    %eq3A_430 = arith.cmpi eq, %jit3A_428, %eq3A_429 : i32
    %jit3A_431 = arith.constant 1 : i32
    %select_n3A_432 = arith.select %eq3A_430, %jit3A_431, %jit3A_428 : i32
    %rem3A_433 = arith.remsi %get3A_427, %select_n3A_432 : i32
    %ne3A_434 = arith.constant 0 : i32
    %ne3A_435 = arith.cmpi ne, %rem3A_433, %ne3A_434 : i32
    %lt3A_436 = arith.constant 0 : i32
    %lt3A_437 = arith.cmpi slt, %rem3A_433, %lt3A_436 : i32
    %lt3A_438 = arith.constant 0 : i32
    %lt3A_439 = arith.cmpi slt, %select_n3A_432, %lt3A_438 : i32
    %ne3A_440 = arith.xori %lt3A_437, %lt3A_439 : i1
    %and3A_441 = arith.andi %ne3A_440, %ne3A_435 : i1
    %add3A_442 = arith.addi %rem3A_433, %select_n3A_432 : i32
    %select_n3A_443 = arith.select %and3A_441, %add3A_442, %rem3A_433 : i32
    %get3A_444 = arith.constant 5 : index
    %get3A_445 = arith.constant 0 : index
    %get3A_446 = arith.constant 0 : index
    %get3A_447 = vector.load %arg2[%get3A_444, %get3A_445, %get3A_446] : memref<16x1024x128xf32, #tpu.memory_space<vmem>>, vector<1x1024x128xf32>
    %get3A_448 = vector.shape_cast %get3A_447 : vector<1x1024x128xf32> to vector<1024x128xf32>
    %get3A_449 = arith.index_cast %select_n3A_443 : i32 to index
    %get3A_450 = arith.constant 0 : index
    %get3A_451 = vector.load %arg8[%get3A_449, %get3A_450] : memref<8x128xf32, #tpu.memory_space<vmem>>, vector<1x128xf32>
    %add3A_452 = vector.broadcast %get3A_451 : vector<1x128xf32> to vector<1024x128xf32>
    %add3A_453 = arith.addf %get3A_448, %add3A_452 : vector<1024x128xf32>
    %swap3A_454 = arith.constant 5 : index
    %swap3A_455 = arith.constant 0 : index
    %swap3A_456 = arith.constant 0 : index
    %swap3A_457 = vector.load %arg19[%swap3A_454, %swap3A_455, %swap3A_456] : memref<16x1024x128xf32, #tpu.memory_space<vmem>>, vector<1x1024x128xf32>
    %swap3A_458 = vector.shape_cast %swap3A_457 : vector<1x1024x128xf32> to vector<1024x128xf32>
    %swap3A_459 = vector.shape_cast %add3A_453 : vector<1024x128xf32> to vector<1x1024x128xf32>
    tpu.vector_store %arg19[%swap3A_454, %swap3A_455, %swap3A_456], %swap3A_459 {strides = array<i32>} : memref<16x1024x128xf32, #tpu.memory_space<vmem>>, vector<1x1024x128xf32>,
    %mul3A_460 = arith.constant 16 : i32
    %mul3A_461 = arith.muli %arg0, %mul3A_460 : i32
    %add3A_462 = arith.constant 6 : i32
    %add3A_463 = arith.addi %mul3A_461, %add3A_462 : i32
    %jit3A_464 = arith.constant 24 : i32
    %div3A_465 = arith.divsi %add3A_463, %jit3A_464 : i32
    %sign3A_466 = arith.constant 0 : i32
    %sign3A_467 = arith.cmpi sgt, %add3A_463, %sign3A_466 : i32
    %sign3A_468 = arith.extui %sign3A_467 : i1 to i32
    %sign3A_469 = arith.constant 0 : i32
    %sign3A_470 = arith.cmpi slt, %add3A_463, %sign3A_469 : i32
    %sign3A_471 = arith.extui %sign3A_470 : i1 to i32
    %sign3A_472 = arith.subi %sign3A_468, %sign3A_471 : i32
    %sign3A_473 = arith.constant 0 : i32
    %sign3A_474 = arith.cmpi sgt, %jit3A_464, %sign3A_473 : i32
    %sign3A_475 = arith.extui %sign3A_474 : i1 to i32
    %sign3A_476 = arith.constant 0 : i32
    %sign3A_477 = arith.cmpi slt, %jit3A_464, %sign3A_476 : i32
    %sign3A_478 = arith.extui %sign3A_477 : i1 to i32
    %sign3A_479 = arith.subi %sign3A_475, %sign3A_478 : i32
    %ne3A_480 = arith.cmpi ne, %sign3A_472, %sign3A_479 : i32
    %rem3A_481 = arith.remsi %add3A_463, %jit3A_464 : i32
    %ne3A_482 = arith.constant 0 : i32
    %ne3A_483 = arith.cmpi ne, %rem3A_481, %ne3A_482 : i32
    %and3A_484 = arith.andi %ne3A_480, %ne3A_483 : i1
    %sub3A_485 = arith.constant 1 : i32
    %sub3A_486 = arith.subi %div3A_465, %sub3A_485 : i32
    %select_n3A_487 = arith.select %and3A_484, %sub3A_486, %div3A_465 : i32
    %jit3A_488 = arith.constant 24 : i32
    %eq3A_489 = arith.constant 0 : i32
    %eq3A_490 = arith.cmpi eq, %jit3A_488, %eq3A_489 : i32
    %jit3A_491 = arith.constant 1 : i32
    %select_n3A_492 = arith.select %eq3A_490, %jit3A_491, %jit3A_488 : i32
    %rem3A_493 = arith.remsi %add3A_463, %select_n3A_492 : i32
    %ne3A_494 = arith.constant 0 : i32
    %ne3A_495 = arith.cmpi ne, %rem3A_493, %ne3A_494 : i32
    %lt3A_496 = arith.constant 0 : i32
    %lt3A_497 = arith.cmpi slt, %rem3A_493, %lt3A_496 : i32
    %lt3A_498 = arith.constant 0 : i32
    %lt3A_499 = arith.cmpi slt, %select_n3A_492, %lt3A_498 : i32
    %ne3A_500 = arith.xori %lt3A_497, %lt3A_499 : i1
    %and3A_501 = arith.andi %ne3A_500, %ne3A_495 : i1
    %add3A_502 = arith.addi %rem3A_493, %select_n3A_492 : i32
    %select_n3A_503 = arith.select %and3A_501, %add3A_502, %rem3A_493 : i32
    %get3A_504 = arith.index_cast %select_n3A_487 : i32 to index
    %get3A_505 = arith.index_cast %select_n3A_503 : i32 to index
    %get3A_506 = memref.load %arg1[%get3A_504, %get3A_505] : memref<8x24xi32, #tpu.memory_space<smem>>
    %jit3A_507 = arith.constant 8 : i32
    %eq3A_508 = arith.constant 0 : i32
    %eq3A_509 = arith.cmpi eq, %jit3A_507, %eq3A_508 : i32
    %jit3A_510 = arith.constant 1 : i32
    %select_n3A_511 = arith.select %eq3A_509, %jit3A_510, %jit3A_507 : i32
    %rem3A_512 = arith.remsi %get3A_506, %select_n3A_511 : i32
    %ne3A_513 = arith.constant 0 : i32
    %ne3A_514 = arith.cmpi ne, %rem3A_512, %ne3A_513 : i32
    %lt3A_515 = arith.constant 0 : i32
    %lt3A_516 = arith.cmpi slt, %rem3A_512, %lt3A_515 : i32
    %lt3A_517 = arith.constant 0 : i32
    %lt3A_518 = arith.cmpi slt, %select_n3A_511, %lt3A_517 : i32
    %ne3A_519 = arith.xori %lt3A_516, %lt3A_518 : i1
    %and3A_520 = arith.andi %ne3A_519, %ne3A_514 : i1
    %add3A_521 = arith.addi %rem3A_512, %select_n3A_511 : i32
    %select_n3A_522 = arith.select %and3A_520, %add3A_521, %rem3A_512 : i32
    %get3A_523 = arith.constant 6 : index
    %get3A_524 = arith.constant 0 : index
    %get3A_525 = arith.constant 0 : index
    %get3A_526 = vector.load %arg2[%get3A_523, %get3A_524, %get3A_525] : memref<16x1024x128xf32, #tpu.memory_space<vmem>>, vector<1x1024x128xf32>
    %get3A_527 = vector.shape_cast %get3A_526 : vector<1x1024x128xf32> to vector<1024x128xf32>
    %get3A_528 = arith.index_cast %select_n3A_522 : i32 to index
    %get3A_529 = arith.constant 0 : index
    %get3A_530 = vector.load %arg9[%get3A_528, %get3A_529] : memref<8x128xf32, #tpu.memory_space<vmem>>, vector<1x128xf32>
    %add3A_531 = vector.broadcast %get3A_530 : vector<1x128xf32> to vector<1024x128xf32>
    %add3A_532 = arith.addf %get3A_527, %add3A_531 : vector<1024x128xf32>
    %swap3A_533 = arith.constant 6 : index
    %swap3A_534 = arith.constant 0 : index
    %swap3A_535 = arith.constant 0 : index
    %swap3A_536 = vector.load %arg19[%swap3A_533, %swap3A_534, %swap3A_535] : memref<16x1024x128xf32, #tpu.memory_space<vmem>>, vector<1x1024x128xf32>
    %swap3A_537 = vector.shape_cast %swap3A_536 : vector<1x1024x128xf32> to vector<1024x128xf32>
    %swap3A_538 = vector.shape_cast %add3A_532 : vector<1024x128xf32> to vector<1x1024x128xf32>
    tpu.vector_store %arg19[%swap3A_533, %swap3A_534, %swap3A_535], %swap3A_538 {strides = array<i32>} : memref<16x1024x128xf32, #tpu.memory_space<vmem>>, vector<1x1024x128xf32>,
    %mul3A_539 = arith.constant 16 : i32
    %mul3A_540 = arith.muli %arg0, %mul3A_539 : i32
    %add3A_541 = arith.constant 7 : i32
    %add3A_542 = arith.addi %mul3A_540, %add3A_541 : i32
    %jit3A_543 = arith.constant 24 : i32
    %div3A_544 = arith.divsi %add3A_542, %jit3A_543 : i32
    %sign3A_545 = arith.constant 0 : i32
    %sign3A_546 = arith.cmpi sgt, %add3A_542, %sign3A_545 : i32
    %sign3A_547 = arith.extui %sign3A_546 : i1 to i32
    %sign3A_548 = arith.constant 0 : i32
    %sign3A_549 = arith.cmpi slt, %add3A_542, %sign3A_548 : i32
    %sign3A_550 = arith.extui %sign3A_549 : i1 to i32
    %sign3A_551 = arith.subi %sign3A_547, %sign3A_550 : i32
    %sign3A_552 = arith.constant 0 : i32
    %sign3A_553 = arith.cmpi sgt, %jit3A_543, %sign3A_552 : i32
    %sign3A_554 = arith.extui %sign3A_553 : i1 to i32
    %sign3A_555 = arith.constant 0 : i32
    %sign3A_556 = arith.cmpi slt, %jit3A_543, %sign3A_555 : i32
    %sign3A_557 = arith.extui %sign3A_556 : i1 to i32
    %sign3A_558 = arith.subi %sign3A_554, %sign3A_557 : i32
    %ne3A_559 = arith.cmpi ne, %sign3A_551, %sign3A_558 : i32
    %rem3A_560 = arith.remsi %add3A_542, %jit3A_543 : i32
    %ne3A_561 = arith.constant 0 : i32
    %ne3A_562 = arith.cmpi ne, %rem3A_560, %ne3A_561 : i32
    %and3A_563 = arith.andi %ne3A_559, %ne3A_562 : i1
    %sub3A_564 = arith.constant 1 : i32
    %sub3A_565 = arith.subi %div3A_544, %sub3A_564 : i32
    %select_n3A_566 = arith.select %and3A_563, %sub3A_565, %div3A_544 : i32
    %jit3A_567 = arith.constant 24 : i32
    %eq3A_568 = arith.constant 0 : i32
    %eq3A_569 = arith.cmpi eq, %jit3A_567, %eq3A_568 : i32
    %jit3A_570 = arith.constant 1 : i32
    %select_n3A_571 = arith.select %eq3A_569, %jit3A_570, %jit3A_567 : i32
    %rem3A_572 = arith.remsi %add3A_542, %select_n3A_571 : i32
    %ne3A_573 = arith.constant 0 : i32
    %ne3A_574 = arith.cmpi ne, %rem3A_572, %ne3A_573 : i32
    %lt3A_575 = arith.constant 0 : i32
    %lt3A_576 = arith.cmpi slt, %rem3A_572, %lt3A_575 : i32
    %lt3A_577 = arith.constant 0 : i32
    %lt3A_578 = arith.cmpi slt, %select_n3A_571, %lt3A_577 : i32
    %ne3A_579 = arith.xori %lt3A_576, %lt3A_578 : i1
    %and3A_580 = arith.andi %ne3A_579, %ne3A_574 : i1
    %add3A_581 = arith.addi %rem3A_572, %select_n3A_571 : i32
    %select_n3A_582 = arith.select %and3A_580, %add3A_581, %rem3A_572 : i32
    %get3A_583 = arith.index_cast %select_n3A_566 : i32 to index
    %get3A_584 = arith.index_cast %select_n3A_582 : i32 to index
    %get3A_585 = memref.load %arg1[%get3A_583, %get3A_584] : memref<8x24xi32, #tpu.memory_space<smem>>
    %jit3A_586 = arith.constant 8 : i32
    %eq3A_587 = arith.constant 0 : i32
    %eq3A_588 = arith.cmpi eq, %jit3A_586, %eq3A_587 : i32
    %jit3A_589 = arith.constant 1 : i32
    %select_n3A_590 = arith.select %eq3A_588, %jit3A_589, %jit3A_586 : i32
    %rem3A_591 = arith.remsi %get3A_585, %select_n3A_590 : i32
    %ne3A_592 = arith.constant 0 : i32
    %ne3A_593 = arith.cmpi ne, %rem3A_591, %ne3A_592 : i32
    %lt3A_594 = arith.constant 0 : i32
    %lt3A_595 = arith.cmpi slt, %rem3A_591, %lt3A_594 : i32
    %lt3A_596 = arith.constant 0 : i32
    %lt3A_597 = arith.cmpi slt, %select_n3A_590, %lt3A_596 : i32
    %ne3A_598 = arith.xori %lt3A_595, %lt3A_597 : i1
    %and3A_599 = arith.andi %ne3A_598, %ne3A_593 : i1
    %add3A_600 = arith.addi %rem3A_591, %select_n3A_590 : i32
    %select_n3A_601 = arith.select %and3A_599, %add3A_600, %rem3A_591 : i32
    %get3A_602 = arith.constant 7 : index
    %get3A_603 = arith.constant 0 : index
    %get3A_604 = arith.constant 0 : index
    %get3A_605 = vector.load %arg2[%get3A_602, %get3A_603, %get3A_604] : memref<16x1024x128xf32, #tpu.memory_space<vmem>>, vector<1x1024x128xf32>
    %get3A_606 = vector.shape_cast %get3A_605 : vector<1x1024x128xf32> to vector<1024x128xf32>
    %get3A_607 = arith.index_cast %select_n3A_601 : i32 to index
    %get3A_608 = arith.constant 0 : index
    %get3A_609 = vector.load %arg10[%get3A_607, %get3A_608] : memref<8x128xf32, #tpu.memory_space<vmem>>, vector<1x128xf32>
    %add3A_610 = vector.broadcast %get3A_609 : vector<1x128xf32> to vector<1024x128xf32>
    %add3A_611 = arith.addf %get3A_606, %add3A_610 : vector<1024x128xf32>
    %swap3A_612 = arith.constant 7 : index
    %swap3A_613 = arith.constant 0 : index
    %swap3A_614 = arith.constant 0 : index
    %swap3A_615 = vector.load %arg19[%swap3A_612, %swap3A_613, %swap3A_614] : memref<16x1024x128xf32, #tpu.memory_space<vmem>>, vector<1x1024x128xf32>
    %swap3A_616 = vector.shape_cast %swap3A_615 : vector<1x1024x128xf32> to vector<1024x128xf32>
    %swap3A_617 = vector.shape_cast %add3A_611 : vector<1024x128xf32> to vector<1x1024x128xf32>
    tpu.vector_store %arg19[%swap3A_612, %swap3A_613, %swap3A_614], %swap3A_617 {strides = array<i32>} : memref<16x1024x128xf32, #tpu.memory_space<vmem>>, vector<1x1024x128xf32>,
    %mul3A_618 = arith.constant 16 : i32
    %mul3A_619 = arith.muli %arg0, %mul3A_618 : i32
    %add3A_620 = arith.constant 8 : i32
    %add3A_621 = arith.addi %mul3A_619, %add3A_620 : i32
    %jit3A_622 = arith.constant 24 : i32
    %div3A_623 = arith.divsi %add3A_621, %jit3A_622 : i32
    %sign3A_624 = arith.constant 0 : i32
    %sign3A_625 = arith.cmpi sgt, %add3A_621, %sign3A_624 : i32
    %sign3A_626 = arith.extui %sign3A_625 : i1 to i32
    %sign3A_627 = arith.constant 0 : i32
    %sign3A_628 = arith.cmpi slt, %add3A_621, %sign3A_627 : i32
    %sign3A_629 = arith.extui %sign3A_628 : i1 to i32
    %sign3A_630 = arith.subi %sign3A_626, %sign3A_629 : i32
    %sign3A_631 = arith.constant 0 : i32
    %sign3A_632 = arith.cmpi sgt, %jit3A_622, %sign3A_631 : i32
    %sign3A_633 = arith.extui %sign3A_632 : i1 to i32
    %sign3A_634 = arith.constant 0 : i32
    %sign3A_635 = arith.cmpi slt, %jit3A_622, %sign3A_634 : i32
    %sign3A_636 = arith.extui %sign3A_635 : i1 to i32
    %sign3A_637 = arith.subi %sign3A_633, %sign3A_636 : i32
    %ne3A_638 = arith.cmpi ne, %sign3A_630, %sign3A_637 : i32
    %rem3A_639 = arith.remsi %add3A_621, %jit3A_622 : i32
    %ne3A_640 = arith.constant 0 : i32
    %ne3A_641 = arith.cmpi ne, %rem3A_639, %ne3A_640 : i32
    %and3A_642 = arith.andi %ne3A_638, %ne3A_641 : i1
    %sub3A_643 = arith.constant 1 : i32
    %sub3A_644 = arith.subi %div3A_623, %sub3A_643 : i32
    %select_n3A_645 = arith.select %and3A_642, %sub3A_644, %div3A_623 : i32
    %jit3A_646 = arith.constant 24 : i32
    %eq3A_647 = arith.constant 0 : i32
    %eq3A_648 = arith.cmpi eq, %jit3A_646, %eq3A_647 : i32
    %jit3A_649 = arith.constant 1 : i32
    %select_n3A_650 = arith.select %eq3A_648, %jit3A_649, %jit3A_646 : i32
    %rem3A_651 = arith.remsi %add3A_621, %select_n3A_650 : i32
    %ne3A_652 = arith.constant 0 : i32
    %ne3A_653 = arith.cmpi ne, %rem3A_651, %ne3A_652 : i32
    %lt3A_654 = arith.constant 0 : i32
    %lt3A_655 = arith.cmpi slt, %rem3A_651, %lt3A_654 : i32
    %lt3A_656 = arith.constant 0 : i32
    %lt3A_657 = arith.cmpi slt, %select_n3A_650, %lt3A_656 : i32
    %ne3A_658 = arith.xori %lt3A_655, %lt3A_657 : i1
    %and3A_659 = arith.andi %ne3A_658, %ne3A_653 : i1
    %add3A_660 = arith.addi %rem3A_651, %select_n3A_650 : i32
    %select_n3A_661 = arith.select %and3A_659, %add3A_660, %rem3A_651 : i32
    %get3A_662 = arith.index_cast %select_n3A_645 : i32 to index
    %get3A_663 = arith.index_cast %select_n3A_661 : i32 to index
    %get3A_664 = memref.load %arg1[%get3A_662, %get3A_663] : memref<8x24xi32, #tpu.memory_space<smem>>
    %jit3A_665 = arith.constant 8 : i32
    %eq3A_666 = arith.constant 0 : i32
    %eq3A_667 = arith.cmpi eq, %jit3A_665, %eq3A_666 : i32
    %jit3A_668 = arith.constant 1 : i32
    %select_n3A_669 = arith.select %eq3A_667, %jit3A_668, %jit3A_665 : i32
    %rem3A_670 = arith.remsi %get3A_664, %select_n3A_669 : i32
    %ne3A_671 = arith.constant 0 : i32
    %ne3A_672 = arith.cmpi ne, %rem3A_670, %ne3A_671 : i32
    %lt3A_673 = arith.constant 0 : i32
    %lt3A_674 = arith.cmpi slt, %rem3A_670, %lt3A_673 : i32
    %lt3A_675 = arith.constant 0 : i32
    %lt3A_676 = arith.cmpi slt, %select_n3A_669, %lt3A_675 : i32
    %ne3A_677 = arith.xori %lt3A_674, %lt3A_676 : i1
    %and3A_678 = arith.andi %ne3A_677, %ne3A_672 : i1
    %add3A_679 = arith.addi %rem3A_670, %select_n3A_669 : i32
    %select_n3A_680 = arith.select %and3A_678, %add3A_679, %rem3A_670 : i32
    %get3A_681 = arith.constant 8 : index
    %get3A_682 = arith.constant 0 : index
    %get3A_683 = arith.constant 0 : index
    %get3A_684 = vector.load %arg2[%get3A_681, %get3A_682, %get3A_683] : memref<16x1024x128xf32, #tpu.memory_space<vmem>>, vector<1x1024x128xf32>
    %get3A_685 = vector.shape_cast %get3A_684 : vector<1x1024x128xf32> to vector<1024x128xf32>
    %get3A_686 = arith.index_cast %select_n3A_680 : i32 to index
    %get3A_687 = arith.constant 0 : index
    %get3A_688 = vector.load %arg11[%get3A_686, %get3A_687] : memref<8x128xf32, #tpu.memory_space<vmem>>, vector<1x128xf32>
    %add3A_689 = vector.broadcast %get3A_688 : vector<1x128xf32> to vector<1024x128xf32>
    %add3A_690 = arith.addf %get3A_685, %add3A_689 : vector<1024x128xf32>
    %swap3A_691 = arith.constant 8 : index
    %swap3A_692 = arith.constant 0 : index
    %swap3A_693 = arith.constant 0 : index
    %swap3A_694 = vector.load %arg19[%swap3A_691, %swap3A_692, %swap3A_693] : memref<16x1024x128xf32, #tpu.memory_space<vmem>>, vector<1x1024x128xf32>
    %swap3A_695 = vector.shape_cast %swap3A_694 : vector<1x1024x128xf32> to vector<1024x128xf32>
    %swap3A_696 = vector.shape_cast %add3A_690 : vector<1024x128xf32> to vector<1x1024x128xf32>
    tpu.vector_store %arg19[%swap3A_691, %swap3A_692, %swap3A_693], %swap3A_696 {strides = array<i32>} : memref<16x1024x128xf32, #tpu.memory_space<vmem>>, vector<1x1024x128xf32>,
    %mul3A_697 = arith.constant 16 : i32
    %mul3A_698 = arith.muli %arg0, %mul3A_697 : i32
    %add3A_699 = arith.constant 9 : i32
    %add3A_700 = arith.addi %mul3A_698, %add3A_699 : i32
    %jit3A_701 = arith.constant 24 : i32
    %div3A_702 = arith.divsi %add3A_700, %jit3A_701 : i32
    %sign3A_703 = arith.constant 0 : i32
    %sign3A_704 = arith.cmpi sgt, %add3A_700, %sign3A_703 : i32
    %sign3A_705 = arith.extui %sign3A_704 : i1 to i32
    %sign3A_706 = arith.constant 0 : i32
    %sign3A_707 = arith.cmpi slt, %add3A_700, %sign3A_706 : i32
    %sign3A_708 = arith.extui %sign3A_707 : i1 to i32
    %sign3A_709 = arith.subi %sign3A_705, %sign3A_708 : i32
    %sign3A_710 = arith.constant 0 : i32
    %sign3A_711 = arith.cmpi sgt, %jit3A_701, %sign3A_710 : i32
    %sign3A_712 = arith.extui %sign3A_711 : i1 to i32
    %sign3A_713 = arith.constant 0 : i32
    %sign3A_714 = arith.cmpi slt, %jit3A_701, %sign3A_713 : i32
    %sign3A_715 = arith.extui %sign3A_714 : i1 to i32
    %sign3A_716 = arith.subi %sign3A_712, %sign3A_715 : i32
    %ne3A_717 = arith.cmpi ne, %sign3A_709, %sign3A_716 : i32
    %rem3A_718 = arith.remsi %add3A_700, %jit3A_701 : i32
    %ne3A_719 = arith.constant 0 : i32
    %ne3A_720 = arith.cmpi ne, %rem3A_718, %ne3A_719 : i32
    %and3A_721 = arith.andi %ne3A_717, %ne3A_720 : i1
    %sub3A_722 = arith.constant 1 : i32
    %sub3A_723 = arith.subi %div3A_702, %sub3A_722 : i32
    %select_n3A_724 = arith.select %and3A_721, %sub3A_723, %div3A_702 : i32
    %jit3A_725 = arith.constant 24 : i32
    %eq3A_726 = arith.constant 0 : i32
    %eq3A_727 = arith.cmpi eq, %jit3A_725, %eq3A_726 : i32
    %jit3A_728 = arith.constant 1 : i32
    %select_n3A_729 = arith.select %eq3A_727, %jit3A_728, %jit3A_725 : i32
    %rem3A_730 = arith.remsi %add3A_700, %select_n3A_729 : i32
    %ne3A_731 = arith.constant 0 : i32
    %ne3A_732 = arith.cmpi ne, %rem3A_730, %ne3A_731 : i32
    %lt3A_733 = arith.constant 0 : i32
    %lt3A_734 = arith.cmpi slt, %rem3A_730, %lt3A_733 : i32
    %lt3A_735 = arith.constant 0 : i32
    %lt3A_736 = arith.cmpi slt, %select_n3A_729, %lt3A_735 : i32
    %ne3A_737 = arith.xori %lt3A_734, %lt3A_736 : i1
    %and3A_738 = arith.andi %ne3A_737, %ne3A_732 : i1
    %add3A_739 = arith.addi %rem3A_730, %select_n3A_729 : i32
    %select_n3A_740 = arith.select %and3A_738, %add3A_739, %rem3A_730 : i32
    %get3A_741 = arith.index_cast %select_n3A_724 : i32 to index
    %get3A_742 = arith.index_cast %select_n3A_740 : i32 to index
    %get3A_743 = memref.load %arg1[%get3A_741, %get3A_742] : memref<8x24xi32, #tpu.memory_space<smem>>
    %jit3A_744 = arith.constant 8 : i32
    %eq3A_745 = arith.constant 0 : i32
    %eq3A_746 = arith.cmpi eq, %jit3A_744, %eq3A_745 : i32
    %jit3A_747 = arith.constant 1 : i32
    %select_n3A_748 = arith.select %eq3A_746, %jit3A_747, %jit3A_744 : i32
    %rem3A_749 = arith.remsi %get3A_743, %select_n3A_748 : i32
    %ne3A_750 = arith.constant 0 : i32
    %ne3A_751 = arith.cmpi ne, %rem3A_749, %ne3A_750 : i32
    %lt3A_752 = arith.constant 0 : i32
    %lt3A_753 = arith.cmpi slt, %rem3A_749, %lt3A_752 : i32
    %lt3A_754 = arith.constant 0 : i32
    %lt3A_755 = arith.cmpi slt, %select_n3A_748, %lt3A_754 : i32
    %ne3A_756 = arith.xori %lt3A_753, %lt3A_755 : i1
    %and3A_757 = arith.andi %ne3A_756, %ne3A_751 : i1
    %add3A_758 = arith.addi %rem3A_749, %select_n3A_748 : i32
    %select_n3A_759 = arith.select %and3A_757, %add3A_758, %rem3A_749 : i32
    %get3A_760 = arith.constant 9 : index
    %get3A_761 = arith.constant 0 : index
    %get3A_762 = arith.constant 0 : index
    %get3A_763 = vector.load %arg2[%get3A_760, %get3A_761, %get3A_762] : memref<16x1024x128xf32, #tpu.memory_space<vmem>>, vector<1x1024x128xf32>
    %get3A_764 = vector.shape_cast %get3A_763 : vector<1x1024x128xf32> to vector<1024x128xf32>
    %get3A_765 = arith.index_cast %select_n3A_759 : i32 to index
    %get3A_766 = arith.constant 0 : index
    %get3A_767 = vector.load %arg12[%get3A_765, %get3A_766] : memref<8x128xf32, #tpu.memory_space<vmem>>, vector<1x128xf32>
    %add3A_768 = vector.broadcast %get3A_767 : vector<1x128xf32> to vector<1024x128xf32>
    %add3A_769 = arith.addf %get3A_764, %add3A_768 : vector<1024x128xf32>
    %swap3A_770 = arith.constant 9 : index
    %swap3A_771 = arith.constant 0 : index
    %swap3A_772 = arith.constant 0 : index
    %swap3A_773 = vector.load %arg19[%swap3A_770, %swap3A_771, %swap3A_772] : memref<16x1024x128xf32, #tpu.memory_space<vmem>>, vector<1x1024x128xf32>
    %swap3A_774 = vector.shape_cast %swap3A_773 : vector<1x1024x128xf32> to vector<1024x128xf32>
    %swap3A_775 = vector.shape_cast %add3A_769 : vector<1024x128xf32> to vector<1x1024x128xf32>
    tpu.vector_store %arg19[%swap3A_770, %swap3A_771, %swap3A_772], %swap3A_775 {strides = array<i32>} : memref<16x1024x128xf32, #tpu.memory_space<vmem>>, vector<1x1024x128xf32>,
    %mul3A_776 = arith.constant 16 : i32
    %mul3A_777 = arith.muli %arg0, %mul3A_776 : i32
    %add3A_778 = arith.constant 10 : i32
    %add3A_779 = arith.addi %mul3A_777, %add3A_778 : i32
    %jit3A_780 = arith.constant 24 : i32
    %div3A_781 = arith.divsi %add3A_779, %jit3A_780 : i32
    %sign3A_782 = arith.constant 0 : i32
    %sign3A_783 = arith.cmpi sgt, %add3A_779, %sign3A_782 : i32
    %sign3A_784 = arith.extui %sign3A_783 : i1 to i32
    %sign3A_785 = arith.constant 0 : i32
    %sign3A_786 = arith.cmpi slt, %add3A_779, %sign3A_785 : i32
    %sign3A_787 = arith.extui %sign3A_786 : i1 to i32
    %sign3A_788 = arith.subi %sign3A_784, %sign3A_787 : i32
    %sign3A_789 = arith.constant 0 : i32
    %sign3A_790 = arith.cmpi sgt, %jit3A_780, %sign3A_789 : i32
    %sign3A_791 = arith.extui %sign3A_790 : i1 to i32
    %sign3A_792 = arith.constant 0 : i32
    %sign3A_793 = arith.cmpi slt, %jit3A_780, %sign3A_792 : i32
    %sign3A_794 = arith.extui %sign3A_793 : i1 to i32
    %sign3A_795 = arith.subi %sign3A_791, %sign3A_794 : i32
    %ne3A_796 = arith.cmpi ne, %sign3A_788, %sign3A_795 : i32
    %rem3A_797 = arith.remsi %add3A_779, %jit3A_780 : i32
    %ne3A_798 = arith.constant 0 : i32
    %ne3A_799 = arith.cmpi ne, %rem3A_797, %ne3A_798 : i32
    %and3A_800 = arith.andi %ne3A_796, %ne3A_799 : i1
    %sub3A_801 = arith.constant 1 : i32
    %sub3A_802 = arith.subi %div3A_781, %sub3A_801 : i32
    %select_n3A_803 = arith.select %and3A_800, %sub3A_802, %div3A_781 : i32
    %jit3A_804 = arith.constant 24 : i32
    %eq3A_805 = arith.constant 0 : i32
    %eq3A_806 = arith.cmpi eq, %jit3A_804, %eq3A_805 : i32
    %jit3A_807 = arith.constant 1 : i32
    %select_n3A_808 = arith.select %eq3A_806, %jit3A_807, %jit3A_804 : i32
    %rem3A_809 = arith.remsi %add3A_779, %select_n3A_808 : i32
    %ne3A_810 = arith.constant 0 : i32
    %ne3A_811 = arith.cmpi ne, %rem3A_809, %ne3A_810 : i32
    %lt3A_812 = arith.constant 0 : i32
    %lt3A_813 = arith.cmpi slt, %rem3A_809, %lt3A_812 : i32
    %lt3A_814 = arith.constant 0 : i32
    %lt3A_815 = arith.cmpi slt, %select_n3A_808, %lt3A_814 : i32
    %ne3A_816 = arith.xori %lt3A_813, %lt3A_815 : i1
    %and3A_817 = arith.andi %ne3A_816, %ne3A_811 : i1
    %add3A_818 = arith.addi %rem3A_809, %select_n3A_808 : i32
    %select_n3A_819 = arith.select %and3A_817, %add3A_818, %rem3A_809 : i32
    %get3A_820 = arith.index_cast %select_n3A_803 : i32 to index
    %get3A_821 = arith.index_cast %select_n3A_819 : i32 to index
    %get3A_822 = memref.load %arg1[%get3A_820, %get3A_821] : memref<8x24xi32, #tpu.memory_space<smem>>
    %jit3A_823 = arith.constant 8 : i32
    %eq3A_824 = arith.constant 0 : i32
    %eq3A_825 = arith.cmpi eq, %jit3A_823, %eq3A_824 : i32
    %jit3A_826 = arith.constant 1 : i32
    %select_n3A_827 = arith.select %eq3A_825, %jit3A_826, %jit3A_823 : i32
    %rem3A_828 = arith.remsi %get3A_822, %select_n3A_827 : i32
    %ne3A_829 = arith.constant 0 : i32
    %ne3A_830 = arith.cmpi ne, %rem3A_828, %ne3A_829 : i32
    %lt3A_831 = arith.constant 0 : i32
    %lt3A_832 = arith.cmpi slt, %rem3A_828, %lt3A_831 : i32
    %lt3A_833 = arith.constant 0 : i32
    %lt3A_834 = arith.cmpi slt, %select_n3A_827, %lt3A_833 : i32
    %ne3A_835 = arith.xori %lt3A_832, %lt3A_834 : i1
    %and3A_836 = arith.andi %ne3A_835, %ne3A_830 : i1
    %add3A_837 = arith.addi %rem3A_828, %select_n3A_827 : i32
    %select_n3A_838 = arith.select %and3A_836, %add3A_837, %rem3A_828 : i32
    %get3A_839 = arith.constant 10 : index
    %get3A_840 = arith.constant 0 : index
    %get3A_841 = arith.constant 0 : index
    %get3A_842 = vector.load %arg2[%get3A_839, %get3A_840, %get3A_841] : memref<16x1024x128xf32, #tpu.memory_space<vmem>>, vector<1x1024x128xf32>
    %get3A_843 = vector.shape_cast %get3A_842 : vector<1x1024x128xf32> to vector<1024x128xf32>
    %get3A_844 = arith.index_cast %select_n3A_838 : i32 to index
    %get3A_845 = arith.constant 0 : index
    %get3A_846 = vector.load %arg13[%get3A_844, %get3A_845] : memref<8x128xf32, #tpu.memory_space<vmem>>, vector<1x128xf32>
    %add3A_847 = vector.broadcast %get3A_846 : vector<1x128xf32> to vector<1024x128xf32>
    %add3A_848 = arith.addf %get3A_843, %add3A_847 : vector<1024x128xf32>
    %swap3A_849 = arith.constant 10 : index
    %swap3A_850 = arith.constant 0 : index
    %swap3A_851 = arith.constant 0 : index
    %swap3A_852 = vector.load %arg19[%swap3A_849, %swap3A_850, %swap3A_851] : memref<16x1024x128xf32, #tpu.memory_space<vmem>>, vector<1x1024x128xf32>
    %swap3A_853 = vector.shape_cast %swap3A_852 : vector<1x1024x128xf32> to vector<1024x128xf32>
    %swap3A_854 = vector.shape_cast %add3A_848 : vector<1024x128xf32> to vector<1x1024x128xf32>
    tpu.vector_store %arg19[%swap3A_849, %swap3A_850, %swap3A_851], %swap3A_854 {strides = array<i32>} : memref<16x1024x128xf32, #tpu.memory_space<vmem>>, vector<1x1024x128xf32>,
    %mul3A_855 = arith.constant 16 : i32
    %mul3A_856 = arith.muli %arg0, %mul3A_855 : i32
    %add3A_857 = arith.constant 11 : i32
    %add3A_858 = arith.addi %mul3A_856, %add3A_857 : i32
    %jit3A_859 = arith.constant 24 : i32
    %div3A_860 = arith.divsi %add3A_858, %jit3A_859 : i32
    %sign3A_861 = arith.constant 0 : i32
    %sign3A_862 = arith.cmpi sgt, %add3A_858, %sign3A_861 : i32
    %sign3A_863 = arith.extui %sign3A_862 : i1 to i32
    %sign3A_864 = arith.constant 0 : i32
    %sign3A_865 = arith.cmpi slt, %add3A_858, %sign3A_864 : i32
    %sign3A_866 = arith.extui %sign3A_865 : i1 to i32
    %sign3A_867 = arith.subi %sign3A_863, %sign3A_866 : i32
    %sign3A_868 = arith.constant 0 : i32
    %sign3A_869 = arith.cmpi sgt, %jit3A_859, %sign3A_868 : i32
    %sign3A_870 = arith.extui %sign3A_869 : i1 to i32
    %sign3A_871 = arith.constant 0 : i32
    %sign3A_872 = arith.cmpi slt, %jit3A_859, %sign3A_871 : i32
    %sign3A_873 = arith.extui %sign3A_872 : i1 to i32
    %sign3A_874 = arith.subi %sign3A_870, %sign3A_873 : i32
    %ne3A_875 = arith.cmpi ne, %sign3A_867, %sign3A_874 : i32
    %rem3A_876 = arith.remsi %add3A_858, %jit3A_859 : i32
    %ne3A_877 = arith.constant 0 : i32
    %ne3A_878 = arith.cmpi ne, %rem3A_876, %ne3A_877 : i32
    %and3A_879 = arith.andi %ne3A_875, %ne3A_878 : i1
    %sub3A_880 = arith.constant 1 : i32
    %sub3A_881 = arith.subi %div3A_860, %sub3A_880 : i32
    %select_n3A_882 = arith.select %and3A_879, %sub3A_881, %div3A_860 : i32
    %jit3A_883 = arith.constant 24 : i32
    %eq3A_884 = arith.constant 0 : i32
    %eq3A_885 = arith.cmpi eq, %jit3A_883, %eq3A_884 : i32
    %jit3A_886 = arith.constant 1 : i32
    %select_n3A_887 = arith.select %eq3A_885, %jit3A_886, %jit3A_883 : i32
    %rem3A_888 = arith.remsi %add3A_858, %select_n3A_887 : i32
    %ne3A_889 = arith.constant 0 : i32
    %ne3A_890 = arith.cmpi ne, %rem3A_888, %ne3A_889 : i32
    %lt3A_891 = arith.constant 0 : i32
    %lt3A_892 = arith.cmpi slt, %rem3A_888, %lt3A_891 : i32
    %lt3A_893 = arith.constant 0 : i32
    %lt3A_894 = arith.cmpi slt, %select_n3A_887, %lt3A_893 : i32
    %ne3A_895 = arith.xori %lt3A_892, %lt3A_894 : i1
    %and3A_896 = arith.andi %ne3A_895, %ne3A_890 : i1
    %add3A_897 = arith.addi %rem3A_888, %select_n3A_887 : i32
    %select_n3A_898 = arith.select %and3A_896, %add3A_897, %rem3A_888 : i32
    %get3A_899 = arith.index_cast %select_n3A_882 : i32 to index
    %get3A_900 = arith.index_cast %select_n3A_898 : i32 to index
    %get3A_901 = memref.load %arg1[%get3A_899, %get3A_900] : memref<8x24xi32, #tpu.memory_space<smem>>
    %jit3A_902 = arith.constant 8 : i32
    %eq3A_903 = arith.constant 0 : i32
    %eq3A_904 = arith.cmpi eq, %jit3A_902, %eq3A_903 : i32
    %jit3A_905 = arith.constant 1 : i32
    %select_n3A_906 = arith.select %eq3A_904, %jit3A_905, %jit3A_902 : i32
    %rem3A_907 = arith.remsi %get3A_901, %select_n3A_906 : i32
    %ne3A_908 = arith.constant 0 : i32
    %ne3A_909 = arith.cmpi ne, %rem3A_907, %ne3A_908 : i32
    %lt3A_910 = arith.constant 0 : i32
    %lt3A_911 = arith.cmpi slt, %rem3A_907, %lt3A_910 : i32
    %lt3A_912 = arith.constant 0 : i32
    %lt3A_913 = arith.cmpi slt, %select_n3A_906, %lt3A_912 : i32
    %ne3A_914 = arith.xori %lt3A_911, %lt3A_913 : i1
    %and3A_915 = arith.andi %ne3A_914, %ne3A_909 : i1
    %add3A_916 = arith.addi %rem3A_907, %select_n3A_906 : i32
    %select_n3A_917 = arith.select %and3A_915, %add3A_916, %rem3A_907 : i32
    %get3A_918 = arith.constant 11 : index
    %get3A_919 = arith.constant 0 : index
    %get3A_920 = arith.constant 0 : index
    %get3A_921 = vector.load %arg2[%get3A_918, %get3A_919, %get3A_920] : memref<16x1024x128xf32, #tpu.memory_space<vmem>>, vector<1x1024x128xf32>
    %get3A_922 = vector.shape_cast %get3A_921 : vector<1x1024x128xf32> to vector<1024x128xf32>
    %get3A_923 = arith.index_cast %select_n3A_917 : i32 to index
    %get3A_924 = arith.constant 0 : index
    %get3A_925 = vector.load %arg14[%get3A_923, %get3A_924] : memref<8x128xf32, #tpu.memory_space<vmem>>, vector<1x128xf32>
    %add3A_926 = vector.broadcast %get3A_925 : vector<1x128xf32> to vector<1024x128xf32>
    %add3A_927 = arith.addf %get3A_922, %add3A_926 : vector<1024x128xf32>
    %swap3A_928 = arith.constant 11 : index
    %swap3A_929 = arith.constant 0 : index
    %swap3A_930 = arith.constant 0 : index
    %swap3A_931 = vector.load %arg19[%swap3A_928, %swap3A_929, %swap3A_930] : memref<16x1024x128xf32, #tpu.memory_space<vmem>>, vector<1x1024x128xf32>
    %swap3A_932 = vector.shape_cast %swap3A_931 : vector<1x1024x128xf32> to vector<1024x128xf32>
    %swap3A_933 = vector.shape_cast %add3A_927 : vector<1024x128xf32> to vector<1x1024x128xf32>
    tpu.vector_store %arg19[%swap3A_928, %swap3A_929, %swap3A_930], %swap3A_933 {strides = array<i32>} : memref<16x1024x128xf32, #tpu.memory_space<vmem>>, vector<1x1024x128xf32>,
    %mul3A_934 = arith.constant 16 : i32
    %mul3A_935 = arith.muli %arg0, %mul3A_934 : i32
    %add3A_936 = arith.constant 12 : i32
    %add3A_937 = arith.addi %mul3A_935, %add3A_936 : i32
    %jit3A_938 = arith.constant 24 : i32
    %div3A_939 = arith.divsi %add3A_937, %jit3A_938 : i32
    %sign3A_940 = arith.constant 0 : i32
    %sign3A_941 = arith.cmpi sgt, %add3A_937, %sign3A_940 : i32
    %sign3A_942 = arith.extui %sign3A_941 : i1 to i32
    %sign3A_943 = arith.constant 0 : i32
    %sign3A_944 = arith.cmpi slt, %add3A_937, %sign3A_943 : i32
    %sign3A_945 = arith.extui %sign3A_944 : i1 to i32
    %sign3A_946 = arith.subi %sign3A_942, %sign3A_945 : i32
    %sign3A_947 = arith.constant 0 : i32
    %sign3A_948 = arith.cmpi sgt, %jit3A_938, %sign3A_947 : i32
    %sign3A_949 = arith.extui %sign3A_948 : i1 to i32
    %sign3A_950 = arith.constant 0 : i32
    %sign3A_951 = arith.cmpi slt, %jit3A_938, %sign3A_950 : i32
    %sign3A_952 = arith.extui %sign3A_951 : i1 to i32
    %sign3A_953 = arith.subi %sign3A_949, %sign3A_952 : i32
    %ne3A_954 = arith.cmpi ne, %sign3A_946, %sign3A_953 : i32
    %rem3A_955 = arith.remsi %add3A_937, %jit3A_938 : i32
    %ne3A_956 = arith.constant 0 : i32
    %ne3A_957 = arith.cmpi ne, %rem3A_955, %ne3A_956 : i32
    %and3A_958 = arith.andi %ne3A_954, %ne3A_957 : i1
    %sub3A_959 = arith.constant 1 : i32
    %sub3A_960 = arith.subi %div3A_939, %sub3A_959 : i32
    %select_n3A_961 = arith.select %and3A_958, %sub3A_960, %div3A_939 : i32
    %jit3A_962 = arith.constant 24 : i32
    %eq3A_963 = arith.constant 0 : i32
    %eq3A_964 = arith.cmpi eq, %jit3A_962, %eq3A_963 : i32
    %jit3A_965 = arith.constant 1 : i32
    %select_n3A_966 = arith.select %eq3A_964, %jit3A_965, %jit3A_962 : i32
    %rem3A_967 = arith.remsi %add3A_937, %select_n3A_966 : i32
    %ne3A_968 = arith.constant 0 : i32
    %ne3A_969 = arith.cmpi ne, %rem3A_967, %ne3A_968 : i32
    %lt3A_970 = arith.constant 0 : i32
    %lt3A_971 = arith.cmpi slt, %rem3A_967, %lt3A_970 : i32
    %lt3A_972 = arith.constant 0 : i32
    %lt3A_973 = arith.cmpi slt, %select_n3A_966, %lt3A_972 : i32
    %ne3A_974 = arith.xori %lt3A_971, %lt3A_973 : i1
    %and3A_975 = arith.andi %ne3A_974, %ne3A_969 : i1
    %add3A_976 = arith.addi %rem3A_967, %select_n3A_966 : i32
    %select_n3A_977 = arith.select %and3A_975, %add3A_976, %rem3A_967 : i32
    %get3A_978 = arith.index_cast %select_n3A_961 : i32 to index
    %get3A_979 = arith.index_cast %select_n3A_977 : i32 to index
    %get3A_980 = memref.load %arg1[%get3A_978, %get3A_979] : memref<8x24xi32, #tpu.memory_space<smem>>
    %jit3A_981 = arith.constant 8 : i32
    %eq3A_982 = arith.constant 0 : i32
    %eq3A_983 = arith.cmpi eq, %jit3A_981, %eq3A_982 : i32
    %jit3A_984 = arith.constant 1 : i32
    %select_n3A_985 = arith.select %eq3A_983, %jit3A_984, %jit3A_981 : i32
    %rem3A_986 = arith.remsi %get3A_980, %select_n3A_985 : i32
    %ne3A_987 = arith.constant 0 : i32
    %ne3A_988 = arith.cmpi ne, %rem3A_986, %ne3A_987 : i32
    %lt3A_989 = arith.constant 0 : i32
    %lt3A_990 = arith.cmpi slt, %rem3A_986, %lt3A_989 : i32
    %lt3A_991 = arith.constant 0 : i32
    %lt3A_992 = arith.cmpi slt, %select_n3A_985, %lt3A_991 : i32
    %ne3A_993 = arith.xori %lt3A_990, %lt3A_992 : i1
    %and3A_994 = arith.andi %ne3A_993, %ne3A_988 : i1
    %add3A_995 = arith.addi %rem3A_986, %select_n3A_985 : i32
    %select_n3A_996 = arith.select %and3A_994, %add3A_995, %rem3A_986 : i32
    %get3A_997 = arith.constant 12 : index
    %get3A_998 = arith.constant 0 : index
    %get3A_999 = arith.constant 0 : index
    %get3A_1000 = vector.load %arg2[%get3A_997, %get3A_998, %get3A_999] : memref<16x1024x128xf32, #tpu.memory_space<vmem>>, vector<1x1024x128xf32>
    %get3A_1001 = vector.shape_cast %get3A_1000 : vector<1x1024x128xf32> to vector<1024x128xf32>
    %get3A_1002 = arith.index_cast %select_n3A_996 : i32 to index
    %get3A_1003 = arith.constant 0 : index
    %get3A_1004 = vector.load %arg15[%get3A_1002, %get3A_1003] : memref<8x128xf32, #tpu.memory_space<vmem>>, vector<1x128xf32>
    %add3A_1005 = vector.broadcast %get3A_1004 : vector<1x128xf32> to vector<1024x128xf32>
    %add3A_1006 = arith.addf %get3A_1001, %add3A_1005 : vector<1024x128xf32>
    %swap3A_1007 = arith.constant 12 : index
    %swap3A_1008 = arith.constant 0 : index
    %swap3A_1009 = arith.constant 0 : index
    %swap3A_1010 = vector.load %arg19[%swap3A_1007, %swap3A_1008, %swap3A_1009] : memref<16x1024x128xf32, #tpu.memory_space<vmem>>, vector<1x1024x128xf32>
    %swap3A_1011 = vector.shape_cast %swap3A_1010 : vector<1x1024x128xf32> to vector<1024x128xf32>
    %swap3A_1012 = vector.shape_cast %add3A_1006 : vector<1024x128xf32> to vector<1x1024x128xf32>
    tpu.vector_store %arg19[%swap3A_1007, %swap3A_1008, %swap3A_1009], %swap3A_1012 {strides = array<i32>} : memref<16x1024x128xf32, #tpu.memory_space<vmem>>, vector<1x1024x128xf32>,
    %mul3A_1013 = arith.constant 16 : i32
    %mul3A_1014 = arith.muli %arg0, %mul3A_1013 : i32
    %add3A_1015 = arith.constant 13 : i32
    %add3A_1016 = arith.addi %mul3A_1014, %add3A_1015 : i32
    %jit3A_1017 = arith.constant 24 : i32
    %div3A_1018 = arith.divsi %add3A_1016, %jit3A_1017 : i32
    %sign3A_1019 = arith.constant 0 : i32
    %sign3A_1020 = arith.cmpi sgt, %add3A_1016, %sign3A_1019 : i32
    %sign3A_1021 = arith.extui %sign3A_1020 : i1 to i32
    %sign3A_1022 = arith.constant 0 : i32
    %sign3A_1023 = arith.cmpi slt, %add3A_1016, %sign3A_1022 : i32
    %sign3A_1024 = arith.extui %sign3A_1023 : i1 to i32
    %sign3A_1025 = arith.subi %sign3A_1021, %sign3A_1024 : i32
    %sign3A_1026 = arith.constant 0 : i32
    %sign3A_1027 = arith.cmpi sgt, %jit3A_1017, %sign3A_1026 : i32
    %sign3A_1028 = arith.extui %sign3A_1027 : i1 to i32
    %sign3A_1029 = arith.constant 0 : i32
    %sign3A_1030 = arith.cmpi slt, %jit3A_1017, %sign3A_1029 : i32
    %sign3A_1031 = arith.extui %sign3A_1030 : i1 to i32
    %sign3A_1032 = arith.subi %sign3A_1028, %sign3A_1031 : i32
    %ne3A_1033 = arith.cmpi ne, %sign3A_1025, %sign3A_1032 : i32
    %rem3A_1034 = arith.remsi %add3A_1016, %jit3A_1017 : i32
    %ne3A_1035 = arith.constant 0 : i32
    %ne3A_1036 = arith.cmpi ne, %rem3A_1034, %ne3A_1035 : i32
    %and3A_1037 = arith.andi %ne3A_1033, %ne3A_1036 : i1
    %sub3A_1038 = arith.constant 1 : i32
    %sub3A_1039 = arith.subi %div3A_1018, %sub3A_1038 : i32
    %select_n3A_1040 = arith.select %and3A_1037, %sub3A_1039, %div3A_1018 : i32
    %jit3A_1041 = arith.constant 24 : i32
    %eq3A_1042 = arith.constant 0 : i32
    %eq3A_1043 = arith.cmpi eq, %jit3A_1041, %eq3A_1042 : i32
    %jit3A_1044 = arith.constant 1 : i32
    %select_n3A_1045 = arith.select %eq3A_1043, %jit3A_1044, %jit3A_1041 : i32
    %rem3A_1046 = arith.remsi %add3A_1016, %select_n3A_1045 : i32
    %ne3A_1047 = arith.constant 0 : i32
    %ne3A_1048 = arith.cmpi ne, %rem3A_1046, %ne3A_1047 : i32
    %lt3A_1049 = arith.constant 0 : i32
    %lt3A_1050 = arith.cmpi slt, %rem3A_1046, %lt3A_1049 : i32
    %lt3A_1051 = arith.constant 0 : i32
    %lt3A_1052 = arith.cmpi slt, %select_n3A_1045, %lt3A_1051 : i32
    %ne3A_1053 = arith.xori %lt3A_1050, %lt3A_1052 : i1
    %and3A_1054 = arith.andi %ne3A_1053, %ne3A_1048 : i1
    %add3A_1055 = arith.addi %rem3A_1046, %select_n3A_1045 : i32
    %select_n3A_1056 = arith.select %and3A_1054, %add3A_1055, %rem3A_1046 : i32
    %get3A_1057 = arith.index_cast %select_n3A_1040 : i32 to index
    %get3A_1058 = arith.index_cast %select_n3A_1056 : i32 to index
    %get3A_1059 = memref.load %arg1[%get3A_1057, %get3A_1058] : memref<8x24xi32, #tpu.memory_space<smem>>
    %jit3A_1060 = arith.constant 8 : i32
    %eq3A_1061 = arith.constant 0 : i32
    %eq3A_1062 = arith.cmpi eq, %jit3A_1060, %eq3A_1061 : i32
    %jit3A_1063 = arith.constant 1 : i32
    %select_n3A_1064 = arith.select %eq3A_1062, %jit3A_1063, %jit3A_1060 : i32
    %rem3A_1065 = arith.remsi %get3A_1059, %select_n3A_1064 : i32
    %ne3A_1066 = arith.constant 0 : i32
    %ne3A_1067 = arith.cmpi ne, %rem3A_1065, %ne3A_1066 : i32
    %lt3A_1068 = arith.constant 0 : i32
    %lt3A_1069 = arith.cmpi slt, %rem3A_1065, %lt3A_1068 : i32
    %lt3A_1070 = arith.constant 0 : i32
    %lt3A_1071 = arith.cmpi slt, %select_n3A_1064, %lt3A_1070 : i32
    %ne3A_1072 = arith.xori %lt3A_1069, %lt3A_1071 : i1
    %and3A_1073 = arith.andi %ne3A_1072, %ne3A_1067 : i1
    %add3A_1074 = arith.addi %rem3A_1065, %select_n3A_1064 : i32
    %select_n3A_1075 = arith.select %and3A_1073, %add3A_1074, %rem3A_1065 : i32
    %get3A_1076 = arith.constant 13 : index
    %get3A_1077 = arith.constant 0 : index
    %get3A_1078 = arith.constant 0 : index
    %get3A_1079 = vector.load %arg2[%get3A_1076, %get3A_1077, %get3A_1078] : memref<16x1024x128xf32, #tpu.memory_space<vmem>>, vector<1x1024x128xf32>
    %get3A_1080 = vector.shape_cast %get3A_1079 : vector<1x1024x128xf32> to vector<1024x128xf32>
    %get3A_1081 = arith.index_cast %select_n3A_1075 : i32 to index
    %get3A_1082 = arith.constant 0 : index
    %get3A_1083 = vector.load %arg16[%get3A_1081, %get3A_1082] : memref<8x128xf32, #tpu.memory_space<vmem>>, vector<1x128xf32>
    %add3A_1084 = vector.broadcast %get3A_1083 : vector<1x128xf32> to vector<1024x128xf32>
    %add3A_1085 = arith.addf %get3A_1080, %add3A_1084 : vector<1024x128xf32>
    %swap3A_1086 = arith.constant 13 : index
    %swap3A_1087 = arith.constant 0 : index
    %swap3A_1088 = arith.constant 0 : index
    %swap3A_1089 = vector.load %arg19[%swap3A_1086, %swap3A_1087, %swap3A_1088] : memref<16x1024x128xf32, #tpu.memory_space<vmem>>, vector<1x1024x128xf32>
    %swap3A_1090 = vector.shape_cast %swap3A_1089 : vector<1x1024x128xf32> to vector<1024x128xf32>
    %swap3A_1091 = vector.shape_cast %add3A_1085 : vector<1024x128xf32> to vector<1x1024x128xf32>
    tpu.vector_store %arg19[%swap3A_1086, %swap3A_1087, %swap3A_1088], %swap3A_1091 {strides = array<i32>} : memref<16x1024x128xf32, #tpu.memory_space<vmem>>, vector<1x1024x128xf32>,
    %mul3A_1092 = arith.constant 16 : i32
    %mul3A_1093 = arith.muli %arg0, %mul3A_1092 : i32
    %add3A_1094 = arith.constant 14 : i32
    %add3A_1095 = arith.addi %mul3A_1093, %add3A_1094 : i32
    %jit3A_1096 = arith.constant 24 : i32
    %div3A_1097 = arith.divsi %add3A_1095, %jit3A_1096 : i32
    %sign3A_1098 = arith.constant 0 : i32
    %sign3A_1099 = arith.cmpi sgt, %add3A_1095, %sign3A_1098 : i32
    %sign3A_1100 = arith.extui %sign3A_1099 : i1 to i32
    %sign3A_1101 = arith.constant 0 : i32
    %sign3A_1102 = arith.cmpi slt, %add3A_1095, %sign3A_1101 : i32
    %sign3A_1103 = arith.extui %sign3A_1102 : i1 to i32
    %sign3A_1104 = arith.subi %sign3A_1100, %sign3A_1103 : i32
    %sign3A_1105 = arith.constant 0 : i32
    %sign3A_1106 = arith.cmpi sgt, %jit3A_1096, %sign3A_1105 : i32
    %sign3A_1107 = arith.extui %sign3A_1106 : i1 to i32
    %sign3A_1108 = arith.constant 0 : i32
    %sign3A_1109 = arith.cmpi slt, %jit3A_1096, %sign3A_1108 : i32
    %sign3A_1110 = arith.extui %sign3A_1109 : i1 to i32
    %sign3A_1111 = arith.subi %sign3A_1107, %sign3A_1110 : i32
    %ne3A_1112 = arith.cmpi ne, %sign3A_1104, %sign3A_1111 : i32
    %rem3A_1113 = arith.remsi %add3A_1095, %jit3A_1096 : i32
    %ne3A_1114 = arith.constant 0 : i32
    %ne3A_1115 = arith.cmpi ne, %rem3A_1113, %ne3A_1114 : i32
    %and3A_1116 = arith.andi %ne3A_1112, %ne3A_1115 : i1
    %sub3A_1117 = arith.constant 1 : i32
    %sub3A_1118 = arith.subi %div3A_1097, %sub3A_1117 : i32
    %select_n3A_1119 = arith.select %and3A_1116, %sub3A_1118, %div3A_1097 : i32
    %jit3A_1120 = arith.constant 24 : i32
    %eq3A_1121 = arith.constant 0 : i32
    %eq3A_1122 = arith.cmpi eq, %jit3A_1120, %eq3A_1121 : i32
    %jit3A_1123 = arith.constant 1 : i32
    %select_n3A_1124 = arith.select %eq3A_1122, %jit3A_1123, %jit3A_1120 : i32
    %rem3A_1125 = arith.remsi %add3A_1095, %select_n3A_1124 : i32
    %ne3A_1126 = arith.constant 0 : i32
    %ne3A_1127 = arith.cmpi ne, %rem3A_1125, %ne3A_1126 : i32
    %lt3A_1128 = arith.constant 0 : i32
    %lt3A_1129 = arith.cmpi slt, %rem3A_1125, %lt3A_1128 : i32
    %lt3A_1130 = arith.constant 0 : i32
    %lt3A_1131 = arith.cmpi slt, %select_n3A_1124, %lt3A_1130 : i32
    %ne3A_1132 = arith.xori %lt3A_1129, %lt3A_1131 : i1
    %and3A_1133 = arith.andi %ne3A_1132, %ne3A_1127 : i1
    %add3A_1134 = arith.addi %rem3A_1125, %select_n3A_1124 : i32
    %select_n3A_1135 = arith.select %and3A_1133, %add3A_1134, %rem3A_1125 : i32
    %get3A_1136 = arith.index_cast %select_n3A_1119 : i32 to index
    %get3A_1137 = arith.index_cast %select_n3A_1135 : i32 to index
    %get3A_1138 = memref.load %arg1[%get3A_1136, %get3A_1137] : memref<8x24xi32, #tpu.memory_space<smem>>
    %jit3A_1139 = arith.constant 8 : i32
    %eq3A_1140 = arith.constant 0 : i32
    %eq3A_1141 = arith.cmpi eq, %jit3A_1139, %eq3A_1140 : i32
    %jit3A_1142 = arith.constant 1 : i32
    %select_n3A_1143 = arith.select %eq3A_1141, %jit3A_1142, %jit3A_1139 : i32
    %rem3A_1144 = arith.remsi %get3A_1138, %select_n3A_1143 : i32
    %ne3A_1145 = arith.constant 0 : i32
    %ne3A_1146 = arith.cmpi ne, %rem3A_1144, %ne3A_1145 : i32
    %lt3A_1147 = arith.constant 0 : i32
    %lt3A_1148 = arith.cmpi slt, %rem3A_1144, %lt3A_1147 : i32
    %lt3A_1149 = arith.constant 0 : i32
    %lt3A_1150 = arith.cmpi slt, %select_n3A_1143, %lt3A_1149 : i32
    %ne3A_1151 = arith.xori %lt3A_1148, %lt3A_1150 : i1
    %and3A_1152 = arith.andi %ne3A_1151, %ne3A_1146 : i1
    %add3A_1153 = arith.addi %rem3A_1144, %select_n3A_1143 : i32
    %select_n3A_1154 = arith.select %and3A_1152, %add3A_1153, %rem3A_1144 : i32
    %get3A_1155 = arith.constant 14 : index
    %get3A_1156 = arith.constant 0 : index
    %get3A_1157 = arith.constant 0 : index
    %get3A_1158 = vector.load %arg2[%get3A_1155, %get3A_1156, %get3A_1157] : memref<16x1024x128xf32, #tpu.memory_space<vmem>>, vector<1x1024x128xf32>
    %get3A_1159 = vector.shape_cast %get3A_1158 : vector<1x1024x128xf32> to vector<1024x128xf32>
    %get3A_1160 = arith.index_cast %select_n3A_1154 : i32 to index
    %get3A_1161 = arith.constant 0 : index
    %get3A_1162 = vector.load %arg17[%get3A_1160, %get3A_1161] : memref<8x128xf32, #tpu.memory_space<vmem>>, vector<1x128xf32>
    %add3A_1163 = vector.broadcast %get3A_1162 : vector<1x128xf32> to vector<1024x128xf32>
    %add3A_1164 = arith.addf %get3A_1159, %add3A_1163 : vector<1024x128xf32>
    %swap3A_1165 = arith.constant 14 : index
    %swap3A_1166 = arith.constant 0 : index
    %swap3A_1167 = arith.constant 0 : index
    %swap3A_1168 = vector.load %arg19[%swap3A_1165, %swap3A_1166, %swap3A_1167] : memref<16x1024x128xf32, #tpu.memory_space<vmem>>, vector<1x1024x128xf32>
    %swap3A_1169 = vector.shape_cast %swap3A_1168 : vector<1x1024x128xf32> to vector<1024x128xf32>
    %swap3A_1170 = vector.shape_cast %add3A_1164 : vector<1024x128xf32> to vector<1x1024x128xf32>
    tpu.vector_store %arg19[%swap3A_1165, %swap3A_1166, %swap3A_1167], %swap3A_1170 {strides = array<i32>} : memref<16x1024x128xf32, #tpu.memory_space<vmem>>, vector<1x1024x128xf32>,
    %mul3A_1171 = arith.constant 16 : i32
    %mul3A_1172 = arith.muli %arg0, %mul3A_1171 : i32
    %add3A_1173 = arith.constant 15 : i32
    %add3A_1174 = arith.addi %mul3A_1172, %add3A_1173 : i32
    %jit3A_1175 = arith.constant 24 : i32
    %div3A_1176 = arith.divsi %add3A_1174, %jit3A_1175 : i32
    %sign3A_1177 = arith.constant 0 : i32
    %sign3A_1178 = arith.cmpi sgt, %add3A_1174, %sign3A_1177 : i32
    %sign3A_1179 = arith.extui %sign3A_1178 : i1 to i32
    %sign3A_1180 = arith.constant 0 : i32
    %sign3A_1181 = arith.cmpi slt, %add3A_1174, %sign3A_1180 : i32
    %sign3A_1182 = arith.extui %sign3A_1181 : i1 to i32
    %sign3A_1183 = arith.subi %sign3A_1179, %sign3A_1182 : i32
    %sign3A_1184 = arith.constant 0 : i32
    %sign3A_1185 = arith.cmpi sgt, %jit3A_1175, %sign3A_1184 : i32
    %sign3A_1186 = arith.extui %sign3A_1185 : i1 to i32
    %sign3A_1187 = arith.constant 0 : i32
    %sign3A_1188 = arith.cmpi slt, %jit3A_1175, %sign3A_1187 : i32
    %sign3A_1189 = arith.extui %sign3A_1188 : i1 to i32
    %sign3A_1190 = arith.subi %sign3A_1186, %sign3A_1189 : i32
    %ne3A_1191 = arith.cmpi ne, %sign3A_1183, %sign3A_1190 : i32
    %rem3A_1192 = arith.remsi %add3A_1174, %jit3A_1175 : i32
    %ne3A_1193 = arith.constant 0 : i32
    %ne3A_1194 = arith.cmpi ne, %rem3A_1192, %ne3A_1193 : i32
    %and3A_1195 = arith.andi %ne3A_1191, %ne3A_1194 : i1
    %sub3A_1196 = arith.constant 1 : i32
    %sub3A_1197 = arith.subi %div3A_1176, %sub3A_1196 : i32
    %select_n3A_1198 = arith.select %and3A_1195, %sub3A_1197, %div3A_1176 : i32
    %jit3A_1199 = arith.constant 24 : i32
    %eq3A_1200 = arith.constant 0 : i32
    %eq3A_1201 = arith.cmpi eq, %jit3A_1199, %eq3A_1200 : i32
    %jit3A_1202 = arith.constant 1 : i32
    %select_n3A_1203 = arith.select %eq3A_1201, %jit3A_1202, %jit3A_1199 : i32
    %rem3A_1204 = arith.remsi %add3A_1174, %select_n3A_1203 : i32
    %ne3A_1205 = arith.constant 0 : i32
    %ne3A_1206 = arith.cmpi ne, %rem3A_1204, %ne3A_1205 : i32
    %lt3A_1207 = arith.constant 0 : i32
    %lt3A_1208 = arith.cmpi slt, %rem3A_1204, %lt3A_1207 : i32
    %lt3A_1209 = arith.constant 0 : i32
    %lt3A_1210 = arith.cmpi slt, %select_n3A_1203, %lt3A_1209 : i32
    %ne3A_1211 = arith.xori %lt3A_1208, %lt3A_1210 : i1
    %and3A_1212 = arith.andi %ne3A_1211, %ne3A_1206 : i1
    %add3A_1213 = arith.addi %rem3A_1204, %select_n3A_1203 : i32
    %select_n3A_1214 = arith.select %and3A_1212, %add3A_1213, %rem3A_1204 : i32
    %get3A_1215 = arith.index_cast %select_n3A_1198 : i32 to index
    %get3A_1216 = arith.index_cast %select_n3A_1214 : i32 to index
    %get3A_1217 = memref.load %arg1[%get3A_1215, %get3A_1216] : memref<8x24xi32, #tpu.memory_space<smem>>
    %jit3A_1218 = arith.constant 8 : i32
    %eq3A_1219 = arith.constant 0 : i32
    %eq3A_1220 = arith.cmpi eq, %jit3A_1218, %eq3A_1219 : i32
    %jit3A_1221 = arith.constant 1 : i32
    %select_n3A_1222 = arith.select %eq3A_1220, %jit3A_1221, %jit3A_1218 : i32
    %rem3A_1223 = arith.remsi %get3A_1217, %select_n3A_1222 : i32
    %ne3A_1224 = arith.constant 0 : i32
    %ne3A_1225 = arith.cmpi ne, %rem3A_1223, %ne3A_1224 : i32
    %lt3A_1226 = arith.constant 0 : i32
    %lt3A_1227 = arith.cmpi slt, %rem3A_1223, %lt3A_1226 : i32
    %lt3A_1228 = arith.constant 0 : i32
    %lt3A_1229 = arith.cmpi slt, %select_n3A_1222, %lt3A_1228 : i32
    %ne3A_1230 = arith.xori %lt3A_1227, %lt3A_1229 : i1
    %and3A_1231 = arith.andi %ne3A_1230, %ne3A_1225 : i1
    %add3A_1232 = arith.addi %rem3A_1223, %select_n3A_1222 : i32
    %select_n3A_1233 = arith.select %and3A_1231, %add3A_1232, %rem3A_1223 : i32
    %get3A_1234 = arith.constant 15 : index
    %get3A_1235 = arith.constant 0 : index
    %get3A_1236 = arith.constant 0 : index
    %get3A_1237 = vector.load %arg2[%get3A_1234, %get3A_1235, %get3A_1236] : memref<16x1024x128xf32, #tpu.memory_space<vmem>>, vector<1x1024x128xf32>
    %get3A_1238 = vector.shape_cast %get3A_1237 : vector<1x1024x128xf32> to vector<1024x128xf32>
    %get3A_1239 = arith.index_cast %select_n3A_1233 : i32 to index
    %get3A_1240 = arith.constant 0 : index
    %get3A_1241 = vector.load %arg18[%get3A_1239, %get3A_1240] : memref<8x128xf32, #tpu.memory_space<vmem>>, vector<1x128xf32>
    %add3A_1242 = vector.broadcast %get3A_1241 : vector<1x128xf32> to vector<1024x128xf32>
    %add3A_1243 = arith.addf %get3A_1238, %add3A_1242 : vector<1024x128xf32>
    %swap3A_1244 = arith.constant 15 : index
    %swap3A_1245 = arith.constant 0 : index
    %swap3A_1246 = arith.constant 0 : index
    %swap3A_1247 = vector.load %arg19[%swap3A_1244, %swap3A_1245, %swap3A_1246] : memref<16x1024x128xf32, #tpu.memory_space<vmem>>, vector<1x1024x128xf32>
    %swap3A_1248 = vector.shape_cast %swap3A_1247 : vector<1x1024x128xf32> to vector<1024x128xf32>
    %swap3A_1249 = vector.shape_cast %add3A_1243 : vector<1024x128xf32> to vector<1x1024x128xf32>
    tpu.vector_store %arg19[%swap3A_1244, %swap3A_1245, %swap3A_1246], %swap3A_1249 {strides = array<i32>} : memref<16x1024x128xf32, #tpu.memory_space<vmem>>, vector<1x1024x128xf32>,
    return
  }
  func.func @transform_0(%arg0: i32, %arg1: memref<8x24xi32, #tpu.memory_space<smem>>) -> (i32, i32, i32) {
    %c0_i32 = arith.constant 0 : i32
    %c0_i32_0 = arith.constant 0 : i32
    %c0_i32_1 = arith.constant 0 : i32
    return %arg0, %c0_i32, %c0_i32_0 : i32, i32, i32
  }
  func.func @transform_1(%arg0: i32, %arg1: memref<8x24xi32, #tpu.memory_space<smem>>) -> (i32, i32) {
    %mul3A = arith.constant 16 : i32
    %mul3A_0 = arith.muli %arg0, %mul3A : i32
    %add3A = arith.constant 0 : i32
    %add3A_1 = arith.addi %mul3A_0, %add3A : i32
    %jit3A = arith.constant 24 : i32
    %div3A = arith.divsi %add3A_1, %jit3A : i32
    %sign3A = arith.constant 0 : i32
    %sign3A_2 = arith.cmpi sgt, %add3A_1, %sign3A : i32
    %sign3A_3 = arith.extui %sign3A_2 : i1 to i32
    %sign3A_4 = arith.constant 0 : i32
    %sign3A_5 = arith.cmpi slt, %add3A_1, %sign3A_4 : i32
    %sign3A_6 = arith.extui %sign3A_5 : i1 to i32
    %sign3A_7 = arith.subi %sign3A_3, %sign3A_6 : i32
    %sign3A_8 = arith.constant 0 : i32
    %sign3A_9 = arith.cmpi sgt, %jit3A, %sign3A_8 : i32
    %sign3A_10 = arith.extui %sign3A_9 : i1 to i32
    %sign3A_11 = arith.constant 0 : i32
    %sign3A_12 = arith.cmpi slt, %jit3A, %sign3A_11 : i32
    %sign3A_13 = arith.extui %sign3A_12 : i1 to i32
    %sign3A_14 = arith.subi %sign3A_10, %sign3A_13 : i32
    %ne3A = arith.cmpi ne, %sign3A_7, %sign3A_14 : i32
    %rem3A = arith.remsi %add3A_1, %jit3A : i32
    %ne3A_15 = arith.constant 0 : i32
    %ne3A_16 = arith.cmpi ne, %rem3A, %ne3A_15 : i32
    %and3A = arith.andi %ne3A, %ne3A_16 : i1
    %sub3A = arith.constant 1 : i32
    %sub3A_17 = arith.subi %div3A, %sub3A : i32
    %select_n3A = arith.select %and3A, %sub3A_17, %div3A : i32
    %mul3A_18 = arith.constant 16 : i32
    %mul3A_19 = arith.muli %arg0, %mul3A_18 : i32
    %add3A_20 = arith.constant 0 : i32
    %add3A_21 = arith.addi %mul3A_19, %add3A_20 : i32
    %jit3A_22 = arith.constant 24 : i32
    %eq3A = arith.constant 0 : i32
    %eq3A_23 = arith.cmpi eq, %jit3A_22, %eq3A : i32
    %jit3A_24 = arith.constant 1 : i32
    %select_n3A_25 = arith.select %eq3A_23, %jit3A_24, %jit3A_22 : i32
    %rem3A_26 = arith.remsi %add3A_21, %select_n3A_25 : i32
    %ne3A_27 = arith.constant 0 : i32
    %ne3A_28 = arith.cmpi ne, %rem3A_26, %ne3A_27 : i32
    %lt3A = arith.constant 0 : i32
    %lt3A_29 = arith.cmpi slt, %rem3A_26, %lt3A : i32
    %lt3A_30 = arith.constant 0 : i32
    %lt3A_31 = arith.cmpi slt, %select_n3A_25, %lt3A_30 : i32
    %ne3A_32 = arith.xori %lt3A_29, %lt3A_31 : i1
    %and3A_33 = arith.andi %ne3A_32, %ne3A_28 : i1
    %add3A_34 = arith.addi %rem3A_26, %select_n3A_25 : i32
    %select_n3A_35 = arith.select %and3A_33, %add3A_34, %rem3A_26 : i32
    %get3A = arith.index_cast %select_n3A : i32 to index
    %get3A_36 = arith.index_cast %select_n3A_35 : i32 to index
    %get3A_37 = memref.load %arg1[%get3A, %get3A_36] : memref<8x24xi32, #tpu.memory_space<smem>>
    %jit3A_38 = arith.constant 8 : i32
    %div3A_39 = arith.divsi %get3A_37, %jit3A_38 : i32
    %sign3A_40 = arith.constant 0 : i32
    %sign3A_41 = arith.cmpi sgt, %get3A_37, %sign3A_40 : i32
    %sign3A_42 = arith.extui %sign3A_41 : i1 to i32
    %sign3A_43 = arith.constant 0 : i32
    %sign3A_44 = arith.cmpi slt, %get3A_37, %sign3A_43 : i32
    %sign3A_45 = arith.extui %sign3A_44 : i1 to i32
    %sign3A_46 = arith.subi %sign3A_42, %sign3A_45 : i32
    %sign3A_47 = arith.constant 0 : i32
    %sign3A_48 = arith.cmpi sgt, %jit3A_38, %sign3A_47 : i32
    %sign3A_49 = arith.extui %sign3A_48 : i1 to i32
    %sign3A_50 = arith.constant 0 : i32
    %sign3A_51 = arith.cmpi slt, %jit3A_38, %sign3A_50 : i32
    %sign3A_52 = arith.extui %sign3A_51 : i1 to i32
    %sign3A_53 = arith.subi %sign3A_49, %sign3A_52 : i32
    %ne3A_54 = arith.cmpi ne, %sign3A_46, %sign3A_53 : i32
    %rem3A_55 = arith.remsi %get3A_37, %jit3A_38 : i32
    %ne3A_56 = arith.constant 0 : i32
    %ne3A_57 = arith.cmpi ne, %rem3A_55, %ne3A_56 : i32
    %and3A_58 = arith.andi %ne3A_54, %ne3A_57 : i1
    %sub3A_59 = arith.constant 1 : i32
    %sub3A_60 = arith.subi %div3A_39, %sub3A_59 : i32
    %select_n3A_61 = arith.select %and3A_58, %sub3A_60, %div3A_39 : i32
    %c0_i32 = arith.constant 0 : i32
    %c0_i32_62 = arith.constant 0 : i32
    return %select_n3A_61, %c0_i32 : i32, i32
  }
  func.func @transform_2(%arg0: i32, %arg1: memref<8x24xi32, #tpu.memory_space<smem>>) -> (i32, i32) {
    %mul3A = arith.constant 16 : i32
    %mul3A_0 = arith.muli %arg0, %mul3A : i32
    %add3A = arith.constant 1 : i32
    %add3A_1 = arith.addi %mul3A_0, %add3A : i32
    %jit3A = arith.constant 24 : i32
    %div3A = arith.divsi %add3A_1, %jit3A : i32
    %sign3A = arith.constant 0 : i32
    %sign3A_2 = arith.cmpi sgt, %add3A_1, %sign3A : i32
    %sign3A_3 = arith.extui %sign3A_2 : i1 to i32
    %sign3A_4 = arith.constant 0 : i32
    %sign3A_5 = arith.cmpi slt, %add3A_1, %sign3A_4 : i32
    %sign3A_6 = arith.extui %sign3A_5 : i1 to i32
    %sign3A_7 = arith.subi %sign3A_3, %sign3A_6 : i32
    %sign3A_8 = arith.constant 0 : i32
    %sign3A_9 = arith.cmpi sgt, %jit3A, %sign3A_8 : i32
    %sign3A_10 = arith.extui %sign3A_9 : i1 to i32
    %sign3A_11 = arith.constant 0 : i32
    %sign3A_12 = arith.cmpi slt, %jit3A, %sign3A_11 : i32
    %sign3A_13 = arith.extui %sign3A_12 : i1 to i32
    %sign3A_14 = arith.subi %sign3A_10, %sign3A_13 : i32
    %ne3A = arith.cmpi ne, %sign3A_7, %sign3A_14 : i32
    %rem3A = arith.remsi %add3A_1, %jit3A : i32
    %ne3A_15 = arith.constant 0 : i32
    %ne3A_16 = arith.cmpi ne, %rem3A, %ne3A_15 : i32
    %and3A = arith.andi %ne3A, %ne3A_16 : i1
    %sub3A = arith.constant 1 : i32
    %sub3A_17 = arith.subi %div3A, %sub3A : i32
    %select_n3A = arith.select %and3A, %sub3A_17, %div3A : i32
    %mul3A_18 = arith.constant 16 : i32
    %mul3A_19 = arith.muli %arg0, %mul3A_18 : i32
    %add3A_20 = arith.constant 1 : i32
    %add3A_21 = arith.addi %mul3A_19, %add3A_20 : i32
    %jit3A_22 = arith.constant 24 : i32
    %eq3A = arith.constant 0 : i32
    %eq3A_23 = arith.cmpi eq, %jit3A_22, %eq3A : i32
    %jit3A_24 = arith.constant 1 : i32
    %select_n3A_25 = arith.select %eq3A_23, %jit3A_24, %jit3A_22 : i32
    %rem3A_26 = arith.remsi %add3A_21, %select_n3A_25 : i32
    %ne3A_27 = arith.constant 0 : i32
    %ne3A_28 = arith.cmpi ne, %rem3A_26, %ne3A_27 : i32
    %lt3A = arith.constant 0 : i32
    %lt3A_29 = arith.cmpi slt, %rem3A_26, %lt3A : i32
    %lt3A_30 = arith.constant 0 : i32
    %lt3A_31 = arith.cmpi slt, %select_n3A_25, %lt3A_30 : i32
    %ne3A_32 = arith.xori %lt3A_29, %lt3A_31 : i1
    %and3A_33 = arith.andi %ne3A_32, %ne3A_28 : i1
    %add3A_34 = arith.addi %rem3A_26, %select_n3A_25 : i32
    %select_n3A_35 = arith.select %and3A_33, %add3A_34, %rem3A_26 : i32
    %get3A = arith.index_cast %select_n3A : i32 to index
    %get3A_36 = arith.index_cast %select_n3A_35 : i32 to index
    %get3A_37 = memref.load %arg1[%get3A, %get3A_36] : memref<8x24xi32, #tpu.memory_space<smem>>
    %jit3A_38 = arith.constant 8 : i32
    %div3A_39 = arith.divsi %get3A_37, %jit3A_38 : i32
    %sign3A_40 = arith.constant 0 : i32
    %sign3A_41 = arith.cmpi sgt, %get3A_37, %sign3A_40 : i32
    %sign3A_42 = arith.extui %sign3A_41 : i1 to i32
    %sign3A_43 = arith.constant 0 : i32
    %sign3A_44 = arith.cmpi slt, %get3A_37, %sign3A_43 : i32
    %sign3A_45 = arith.extui %sign3A_44 : i1 to i32
    %sign3A_46 = arith.subi %sign3A_42, %sign3A_45 : i32
    %sign3A_47 = arith.constant 0 : i32
    %sign3A_48 = arith.cmpi sgt, %jit3A_38, %sign3A_47 : i32
    %sign3A_49 = arith.extui %sign3A_48 : i1 to i32
    %sign3A_50 = arith.constant 0 : i32
    %sign3A_51 = arith.cmpi slt, %jit3A_38, %sign3A_50 : i32
    %sign3A_52 = arith.extui %sign3A_51 : i1 to i32
    %sign3A_53 = arith.subi %sign3A_49, %sign3A_52 : i32
    %ne3A_54 = arith.cmpi ne, %sign3A_46, %sign3A_53 : i32
    %rem3A_55 = arith.remsi %get3A_37, %jit3A_38 : i32
    %ne3A_56 = arith.constant 0 : i32
    %ne3A_57 = arith.cmpi ne, %rem3A_55, %ne3A_56 : i32
    %and3A_58 = arith.andi %ne3A_54, %ne3A_57 : i1
    %sub3A_59 = arith.constant 1 : i32
    %sub3A_60 = arith.subi %div3A_39, %sub3A_59 : i32
    %select_n3A_61 = arith.select %and3A_58, %sub3A_60, %div3A_39 : i32
    %c0_i32 = arith.constant 0 : i32
    %c0_i32_62 = arith.constant 0 : i32
    return %select_n3A_61, %c0_i32 : i32, i32
  }
  func.func @transform_3(%arg0: i32, %arg1: memref<8x24xi32, #tpu.memory_space<smem>>) -> (i32, i32) {
    %mul3A = arith.constant 16 : i32
    %mul3A_0 = arith.muli %arg0, %mul3A : i32
    %add3A = arith.constant 2 : i32
    %add3A_1 = arith.addi %mul3A_0, %add3A : i32
    %jit3A = arith.constant 24 : i32
    %div3A = arith.divsi %add3A_1, %jit3A : i32
    %sign3A = arith.constant 0 : i32
    %sign3A_2 = arith.cmpi sgt, %add3A_1, %sign3A : i32
    %sign3A_3 = arith.extui %sign3A_2 : i1 to i32
    %sign3A_4 = arith.constant 0 : i32
    %sign3A_5 = arith.cmpi slt, %add3A_1, %sign3A_4 : i32
    %sign3A_6 = arith.extui %sign3A_5 : i1 to i32
    %sign3A_7 = arith.subi %sign3A_3, %sign3A_6 : i32
    %sign3A_8 = arith.constant 0 : i32
    %sign3A_9 = arith.cmpi sgt, %jit3A, %sign3A_8 : i32
    %sign3A_10 = arith.extui %sign3A_9 : i1 to i32
    %sign3A_11 = arith.constant 0 : i32
    %sign3A_12 = arith.cmpi slt, %jit3A, %sign3A_11 : i32
    %sign3A_13 = arith.extui %sign3A_12 : i1 to i32
    %sign3A_14 = arith.subi %sign3A_10, %sign3A_13 : i32
    %ne3A = arith.cmpi ne, %sign3A_7, %sign3A_14 : i32
    %rem3A = arith.remsi %add3A_1, %jit3A : i32
    %ne3A_15 = arith.constant 0 : i32
    %ne3A_16 = arith.cmpi ne, %rem3A, %ne3A_15 : i32
    %and3A = arith.andi %ne3A, %ne3A_16 : i1
    %sub3A = arith.constant 1 : i32
    %sub3A_17 = arith.subi %div3A, %sub3A : i32
    %select_n3A = arith.select %and3A, %sub3A_17, %div3A : i32
    %mul3A_18 = arith.constant 16 : i32
    %mul3A_19 = arith.muli %arg0, %mul3A_18 : i32
    %add3A_20 = arith.constant 2 : i32
    %add3A_21 = arith.addi %mul3A_19, %add3A_20 : i32
    %jit3A_22 = arith.constant 24 : i32
    %eq3A = arith.constant 0 : i32
    %eq3A_23 = arith.cmpi eq, %jit3A_22, %eq3A : i32
    %jit3A_24 = arith.constant 1 : i32
    %select_n3A_25 = arith.select %eq3A_23, %jit3A_24, %jit3A_22 : i32
    %rem3A_26 = arith.remsi %add3A_21, %select_n3A_25 : i32
    %ne3A_27 = arith.constant 0 : i32
    %ne3A_28 = arith.cmpi ne, %rem3A_26, %ne3A_27 : i32
    %lt3A = arith.constant 0 : i32
    %lt3A_29 = arith.cmpi slt, %rem3A_26, %lt3A : i32
    %lt3A_30 = arith.constant 0 : i32
    %lt3A_31 = arith.cmpi slt, %select_n3A_25, %lt3A_30 : i32
    %ne3A_32 = arith.xori %lt3A_29, %lt3A_31 : i1
    %and3A_33 = arith.andi %ne3A_32, %ne3A_28 : i1
    %add3A_34 = arith.addi %rem3A_26, %select_n3A_25 : i32
    %select_n3A_35 = arith.select %and3A_33, %add3A_34, %rem3A_26 : i32
    %get3A = arith.index_cast %select_n3A : i32 to index
    %get3A_36 = arith.index_cast %select_n3A_35 : i32 to index
    %get3A_37 = memref.load %arg1[%get3A, %get3A_36] : memref<8x24xi32, #tpu.memory_space<smem>>
    %jit3A_38 = arith.constant 8 : i32
    %div3A_39 = arith.divsi %get3A_37, %jit3A_38 : i32
    %sign3A_40 = arith.constant 0 : i32
    %sign3A_41 = arith.cmpi sgt, %get3A_37, %sign3A_40 : i32
    %sign3A_42 = arith.extui %sign3A_41 : i1 to i32
    %sign3A_43 = arith.constant 0 : i32
    %sign3A_44 = arith.cmpi slt, %get3A_37, %sign3A_43 : i32
    %sign3A_45 = arith.extui %sign3A_44 : i1 to i32
    %sign3A_46 = arith.subi %sign3A_42, %sign3A_45 : i32
    %sign3A_47 = arith.constant 0 : i32
    %sign3A_48 = arith.cmpi sgt, %jit3A_38, %sign3A_47 : i32
    %sign3A_49 = arith.extui %sign3A_48 : i1 to i32
    %sign3A_50 = arith.constant 0 : i32
    %sign3A_51 = arith.cmpi slt, %jit3A_38, %sign3A_50 : i32
    %sign3A_52 = arith.extui %sign3A_51 : i1 to i32
    %sign3A_53 = arith.subi %sign3A_49, %sign3A_52 : i32
    %ne3A_54 = arith.cmpi ne, %sign3A_46, %sign3A_53 : i32
    %rem3A_55 = arith.remsi %get3A_37, %jit3A_38 : i32
    %ne3A_56 = arith.constant 0 : i32
    %ne3A_57 = arith.cmpi ne, %rem3A_55, %ne3A_56 : i32
    %and3A_58 = arith.andi %ne3A_54, %ne3A_57 : i1
    %sub3A_59 = arith.constant 1 : i32
    %sub3A_60 = arith.subi %div3A_39, %sub3A_59 : i32
    %select_n3A_61 = arith.select %and3A_58, %sub3A_60, %div3A_39 : i32
    %c0_i32 = arith.constant 0 : i32
    %c0_i32_62 = arith.constant 0 : i32
    return %select_n3A_61, %c0_i32 : i32, i32
  }
  func.func @transform_4(%arg0: i32, %arg1: memref<8x24xi32, #tpu.memory_space<smem>>) -> (i32, i32) {
    %mul3A = arith.constant 16 : i32
    %mul3A_0 = arith.muli %arg0, %mul3A : i32
    %add3A = arith.constant 3 : i32
    %add3A_1 = arith.addi %mul3A_0, %add3A : i32
    %jit3A = arith.constant 24 : i32
    %div3A = arith.divsi %add3A_1, %jit3A : i32
    %sign3A = arith.constant 0 : i32
    %sign3A_2 = arith.cmpi sgt, %add3A_1, %sign3A : i32
    %sign3A_3 = arith.extui %sign3A_2 : i1 to i32
    %sign3A_4 = arith.constant 0 : i32
    %sign3A_5 = arith.cmpi slt, %add3A_1, %sign3A_4 : i32
    %sign3A_6 = arith.extui %sign3A_5 : i1 to i32
    %sign3A_7 = arith.subi %sign3A_3, %sign3A_6 : i32
    %sign3A_8 = arith.constant 0 : i32
    %sign3A_9 = arith.cmpi sgt, %jit3A, %sign3A_8 : i32
    %sign3A_10 = arith.extui %sign3A_9 : i1 to i32
    %sign3A_11 = arith.constant 0 : i32
    %sign3A_12 = arith.cmpi slt, %jit3A, %sign3A_11 : i32
    %sign3A_13 = arith.extui %sign3A_12 : i1 to i32
    %sign3A_14 = arith.subi %sign3A_10, %sign3A_13 : i32
    %ne3A = arith.cmpi ne, %sign3A_7, %sign3A_14 : i32
    %rem3A = arith.remsi %add3A_1, %jit3A : i32
    %ne3A_15 = arith.constant 0 : i32
    %ne3A_16 = arith.cmpi ne, %rem3A, %ne3A_15 : i32
    %and3A = arith.andi %ne3A, %ne3A_16 : i1
    %sub3A = arith.constant 1 : i32
    %sub3A_17 = arith.subi %div3A, %sub3A : i32
    %select_n3A = arith.select %and3A, %sub3A_17, %div3A : i32
    %mul3A_18 = arith.constant 16 : i32
    %mul3A_19 = arith.muli %arg0, %mul3A_18 : i32
    %add3A_20 = arith.constant 3 : i32
    %add3A_21 = arith.addi %mul3A_19, %add3A_20 : i32
    %jit3A_22 = arith.constant 24 : i32
    %eq3A = arith.constant 0 : i32
    %eq3A_23 = arith.cmpi eq, %jit3A_22, %eq3A : i32
    %jit3A_24 = arith.constant 1 : i32
    %select_n3A_25 = arith.select %eq3A_23, %jit3A_24, %jit3A_22 : i32
    %rem3A_26 = arith.remsi %add3A_21, %select_n3A_25 : i32
    %ne3A_27 = arith.constant 0 : i32
    %ne3A_28 = arith.cmpi ne, %rem3A_26, %ne3A_27 : i32
    %lt3A = arith.constant 0 : i32
    %lt3A_29 = arith.cmpi slt, %rem3A_26, %lt3A : i32
    %lt3A_30 = arith.constant 0 : i32
    %lt3A_31 = arith.cmpi slt, %select_n3A_25, %lt3A_30 : i32
    %ne3A_32 = arith.xori %lt3A_29, %lt3A_31 : i1
    %and3A_33 = arith.andi %ne3A_32, %ne3A_28 : i1
    %add3A_34 = arith.addi %rem3A_26, %select_n3A_25 : i32
    %select_n3A_35 = arith.select %and3A_33, %add3A_34, %rem3A_26 : i32
    %get3A = arith.index_cast %select_n3A : i32 to index
    %get3A_36 = arith.index_cast %select_n3A_35 : i32 to index
    %get3A_37 = memref.load %arg1[%get3A, %get3A_36] : memref<8x24xi32, #tpu.memory_space<smem>>
    %jit3A_38 = arith.constant 8 : i32
    %div3A_39 = arith.divsi %get3A_37, %jit3A_38 : i32
    %sign3A_40 = arith.constant 0 : i32
    %sign3A_41 = arith.cmpi sgt, %get3A_37, %sign3A_40 : i32
    %sign3A_42 = arith.extui %sign3A_41 : i1 to i32
    %sign3A_43 = arith.constant 0 : i32
    %sign3A_44 = arith.cmpi slt, %get3A_37, %sign3A_43 : i32
    %sign3A_45 = arith.extui %sign3A_44 : i1 to i32
    %sign3A_46 = arith.subi %sign3A_42, %sign3A_45 : i32
    %sign3A_47 = arith.constant 0 : i32
    %sign3A_48 = arith.cmpi sgt, %jit3A_38, %sign3A_47 : i32
    %sign3A_49 = arith.extui %sign3A_48 : i1 to i32
    %sign3A_50 = arith.constant 0 : i32
    %sign3A_51 = arith.cmpi slt, %jit3A_38, %sign3A_50 : i32
    %sign3A_52 = arith.extui %sign3A_51 : i1 to i32
    %sign3A_53 = arith.subi %sign3A_49, %sign3A_52 : i32
    %ne3A_54 = arith.cmpi ne, %sign3A_46, %sign3A_53 : i32
    %rem3A_55 = arith.remsi %get3A_37, %jit3A_38 : i32
    %ne3A_56 = arith.constant 0 : i32
    %ne3A_57 = arith.cmpi ne, %rem3A_55, %ne3A_56 : i32
    %and3A_58 = arith.andi %ne3A_54, %ne3A_57 : i1
    %sub3A_59 = arith.constant 1 : i32
    %sub3A_60 = arith.subi %div3A_39, %sub3A_59 : i32
    %select_n3A_61 = arith.select %and3A_58, %sub3A_60, %div3A_39 : i32
    %c0_i32 = arith.constant 0 : i32
    %c0_i32_62 = arith.constant 0 : i32
    return %select_n3A_61, %c0_i32 : i32, i32
  }
  func.func @transform_5(%arg0: i32, %arg1: memref<8x24xi32, #tpu.memory_space<smem>>) -> (i32, i32) {
    %mul3A = arith.constant 16 : i32
    %mul3A_0 = arith.muli %arg0, %mul3A : i32
    %add3A = arith.constant 4 : i32
    %add3A_1 = arith.addi %mul3A_0, %add3A : i32
    %jit3A = arith.constant 24 : i32
    %div3A = arith.divsi %add3A_1, %jit3A : i32
    %sign3A = arith.constant 0 : i32
    %sign3A_2 = arith.cmpi sgt, %add3A_1, %sign3A : i32
    %sign3A_3 = arith.extui %sign3A_2 : i1 to i32
    %sign3A_4 = arith.constant 0 : i32
    %sign3A_5 = arith.cmpi slt, %add3A_1, %sign3A_4 : i32
    %sign3A_6 = arith.extui %sign3A_5 : i1 to i32
    %sign3A_7 = arith.subi %sign3A_3, %sign3A_6 : i32
    %sign3A_8 = arith.constant 0 : i32
    %sign3A_9 = arith.cmpi sgt, %jit3A, %sign3A_8 : i32
    %sign3A_10 = arith.extui %sign3A_9 : i1 to i32
    %sign3A_11 = arith.constant 0 : i32
    %sign3A_12 = arith.cmpi slt, %jit3A, %sign3A_11 : i32
    %sign3A_13 = arith.extui %sign3A_12 : i1 to i32
    %sign3A_14 = arith.subi %sign3A_10, %sign3A_13 : i32
    %ne3A = arith.cmpi ne, %sign3A_7, %sign3A_14 : i32
    %rem3A = arith.remsi %add3A_1, %jit3A : i32
    %ne3A_15 = arith.constant 0 : i32
    %ne3A_16 = arith.cmpi ne, %rem3A, %ne3A_15 : i32
    %and3A = arith.andi %ne3A, %ne3A_16 : i1
    %sub3A = arith.constant 1 : i32
    %sub3A_17 = arith.subi %div3A, %sub3A : i32
    %select_n3A = arith.select %and3A, %sub3A_17, %div3A : i32
    %mul3A_18 = arith.constant 16 : i32
    %mul3A_19 = arith.muli %arg0, %mul3A_18 : i32
    %add3A_20 = arith.constant 4 : i32
    %add3A_21 = arith.addi %mul3A_19, %add3A_20 : i32
    %jit3A_22 = arith.constant 24 : i32
    %eq3A = arith.constant 0 : i32
    %eq3A_23 = arith.cmpi eq, %jit3A_22, %eq3A : i32
    %jit3A_24 = arith.constant 1 : i32
    %select_n3A_25 = arith.select %eq3A_23, %jit3A_24, %jit3A_22 : i32
    %rem3A_26 = arith.remsi %add3A_21, %select_n3A_25 : i32
    %ne3A_27 = arith.constant 0 : i32
    %ne3A_28 = arith.cmpi ne, %rem3A_26, %ne3A_27 : i32
    %lt3A = arith.constant 0 : i32
    %lt3A_29 = arith.cmpi slt, %rem3A_26, %lt3A : i32
    %lt3A_30 = arith.constant 0 : i32
    %lt3A_31 = arith.cmpi slt, %select_n3A_25, %lt3A_30 : i32
    %ne3A_32 = arith.xori %lt3A_29, %lt3A_31 : i1
    %and3A_33 = arith.andi %ne3A_32, %ne3A_28 : i1
    %add3A_34 = arith.addi %rem3A_26, %select_n3A_25 : i32
    %select_n3A_35 = arith.select %and3A_33, %add3A_34, %rem3A_26 : i32
    %get3A = arith.index_cast %select_n3A : i32 to index
    %get3A_36 = arith.index_cast %select_n3A_35 : i32 to index
    %get3A_37 = memref.load %arg1[%get3A, %get3A_36] : memref<8x24xi32, #tpu.memory_space<smem>>
    %jit3A_38 = arith.constant 8 : i32
    %div3A_39 = arith.divsi %get3A_37, %jit3A_38 : i32
    %sign3A_40 = arith.constant 0 : i32
    %sign3A_41 = arith.cmpi sgt, %get3A_37, %sign3A_40 : i32
    %sign3A_42 = arith.extui %sign3A_41 : i1 to i32
    %sign3A_43 = arith.constant 0 : i32
    %sign3A_44 = arith.cmpi slt, %get3A_37, %sign3A_43 : i32
    %sign3A_45 = arith.extui %sign3A_44 : i1 to i32
    %sign3A_46 = arith.subi %sign3A_42, %sign3A_45 : i32
    %sign3A_47 = arith.constant 0 : i32
    %sign3A_48 = arith.cmpi sgt, %jit3A_38, %sign3A_47 : i32
    %sign3A_49 = arith.extui %sign3A_48 : i1 to i32
    %sign3A_50 = arith.constant 0 : i32
    %sign3A_51 = arith.cmpi slt, %jit3A_38, %sign3A_50 : i32
    %sign3A_52 = arith.extui %sign3A_51 : i1 to i32
    %sign3A_53 = arith.subi %sign3A_49, %sign3A_52 : i32
    %ne3A_54 = arith.cmpi ne, %sign3A_46, %sign3A_53 : i32
    %rem3A_55 = arith.remsi %get3A_37, %jit3A_38 : i32
    %ne3A_56 = arith.constant 0 : i32
    %ne3A_57 = arith.cmpi ne, %rem3A_55, %ne3A_56 : i32
    %and3A_58 = arith.andi %ne3A_54, %ne3A_57 : i1
    %sub3A_59 = arith.constant 1 : i32
    %sub3A_60 = arith.subi %div3A_39, %sub3A_59 : i32
    %select_n3A_61 = arith.select %and3A_58, %sub3A_60, %div3A_39 : i32
    %c0_i32 = arith.constant 0 : i32
    %c0_i32_62 = arith.constant 0 : i32
    return %select_n3A_61, %c0_i32 : i32, i32
  }
  func.func @transform_6(%arg0: i32, %arg1: memref<8x24xi32, #tpu.memory_space<smem>>) -> (i32, i32) {
    %mul3A = arith.constant 16 : i32
    %mul3A_0 = arith.muli %arg0, %mul3A : i32
    %add3A = arith.constant 5 : i32
    %add3A_1 = arith.addi %mul3A_0, %add3A : i32
    %jit3A = arith.constant 24 : i32
    %div3A = arith.divsi %add3A_1, %jit3A : i32
    %sign3A = arith.constant 0 : i32
    %sign3A_2 = arith.cmpi sgt, %add3A_1, %sign3A : i32
    %sign3A_3 = arith.extui %sign3A_2 : i1 to i32
    %sign3A_4 = arith.constant 0 : i32
    %sign3A_5 = arith.cmpi slt, %add3A_1, %sign3A_4 : i32
    %sign3A_6 = arith.extui %sign3A_5 : i1 to i32
    %sign3A_7 = arith.subi %sign3A_3, %sign3A_6 : i32
    %sign3A_8 = arith.constant 0 : i32
    %sign3A_9 = arith.cmpi sgt, %jit3A, %sign3A_8 : i32
    %sign3A_10 = arith.extui %sign3A_9 : i1 to i32
    %sign3A_11 = arith.constant 0 : i32
    %sign3A_12 = arith.cmpi slt, %jit3A, %sign3A_11 : i32
    %sign3A_13 = arith.extui %sign3A_12 : i1 to i32
    %sign3A_14 = arith.subi %sign3A_10, %sign3A_13 : i32
    %ne3A = arith.cmpi ne, %sign3A_7, %sign3A_14 : i32
    %rem3A = arith.remsi %add3A_1, %jit3A : i32
    %ne3A_15 = arith.constant 0 : i32
    %ne3A_16 = arith.cmpi ne, %rem3A, %ne3A_15 : i32
    %and3A = arith.andi %ne3A, %ne3A_16 : i1
    %sub3A = arith.constant 1 : i32
    %sub3A_17 = arith.subi %div3A, %sub3A : i32
    %select_n3A = arith.select %and3A, %sub3A_17, %div3A : i32
    %mul3A_18 = arith.constant 16 : i32
    %mul3A_19 = arith.muli %arg0, %mul3A_18 : i32
    %add3A_20 = arith.constant 5 : i32
    %add3A_21 = arith.addi %mul3A_19, %add3A_20 : i32
    %jit3A_22 = arith.constant 24 : i32
    %eq3A = arith.constant 0 : i32
    %eq3A_23 = arith.cmpi eq, %jit3A_22, %eq3A : i32
    %jit3A_24 = arith.constant 1 : i32
    %select_n3A_25 = arith.select %eq3A_23, %jit3A_24, %jit3A_22 : i32
    %rem3A_26 = arith.remsi %add3A_21, %select_n3A_25 : i32
    %ne3A_27 = arith.constant 0 : i32
    %ne3A_28 = arith.cmpi ne, %rem3A_26, %ne3A_27 : i32
    %lt3A = arith.constant 0 : i32
    %lt3A_29 = arith.cmpi slt, %rem3A_26, %lt3A : i32
    %lt3A_30 = arith.constant 0 : i32
    %lt3A_31 = arith.cmpi slt, %select_n3A_25, %lt3A_30 : i32
    %ne3A_32 = arith.xori %lt3A_29, %lt3A_31 : i1
    %and3A_33 = arith.andi %ne3A_32, %ne3A_28 : i1
    %add3A_34 = arith.addi %rem3A_26, %select_n3A_25 : i32
    %select_n3A_35 = arith.select %and3A_33, %add3A_34, %rem3A_26 : i32
    %get3A = arith.index_cast %select_n3A : i32 to index
    %get3A_36 = arith.index_cast %select_n3A_35 : i32 to index
    %get3A_37 = memref.load %arg1[%get3A, %get3A_36] : memref<8x24xi32, #tpu.memory_space<smem>>
    %jit3A_38 = arith.constant 8 : i32
    %div3A_39 = arith.divsi %get3A_37, %jit3A_38 : i32
    %sign3A_40 = arith.constant 0 : i32
    %sign3A_41 = arith.cmpi sgt, %get3A_37, %sign3A_40 : i32
    %sign3A_42 = arith.extui %sign3A_41 : i1 to i32
    %sign3A_43 = arith.constant 0 : i32
    %sign3A_44 = arith.cmpi slt, %get3A_37, %sign3A_43 : i32
    %sign3A_45 = arith.extui %sign3A_44 : i1 to i32
    %sign3A_46 = arith.subi %sign3A_42, %sign3A_45 : i32
    %sign3A_47 = arith.constant 0 : i32
    %sign3A_48 = arith.cmpi sgt, %jit3A_38, %sign3A_47 : i32
    %sign3A_49 = arith.extui %sign3A_48 : i1 to i32
    %sign3A_50 = arith.constant 0 : i32
    %sign3A_51 = arith.cmpi slt, %jit3A_38, %sign3A_50 : i32
    %sign3A_52 = arith.extui %sign3A_51 : i1 to i32
    %sign3A_53 = arith.subi %sign3A_49, %sign3A_52 : i32
    %ne3A_54 = arith.cmpi ne, %sign3A_46, %sign3A_53 : i32
    %rem3A_55 = arith.remsi %get3A_37, %jit3A_38 : i32
    %ne3A_56 = arith.constant 0 : i32
    %ne3A_57 = arith.cmpi ne, %rem3A_55, %ne3A_56 : i32
    %and3A_58 = arith.andi %ne3A_54, %ne3A_57 : i1
    %sub3A_59 = arith.constant 1 : i32
    %sub3A_60 = arith.subi %div3A_39, %sub3A_59 : i32
    %select_n3A_61 = arith.select %and3A_58, %sub3A_60, %div3A_39 : i32
    %c0_i32 = arith.constant 0 : i32
    %c0_i32_62 = arith.constant 0 : i32
    return %select_n3A_61, %c0_i32 : i32, i32
  }
  func.func @transform_7(%arg0: i32, %arg1: memref<8x24xi32, #tpu.memory_space<smem>>) -> (i32, i32) {
    %mul3A = arith.constant 16 : i32
    %mul3A_0 = arith.muli %arg0, %mul3A : i32
    %add3A = arith.constant 6 : i32
    %add3A_1 = arith.addi %mul3A_0, %add3A : i32
    %jit3A = arith.constant 24 : i32
    %div3A = arith.divsi %add3A_1, %jit3A : i32
    %sign3A = arith.constant 0 : i32
    %sign3A_2 = arith.cmpi sgt, %add3A_1, %sign3A : i32
    %sign3A_3 = arith.extui %sign3A_2 : i1 to i32
    %sign3A_4 = arith.constant 0 : i32
    %sign3A_5 = arith.cmpi slt, %add3A_1, %sign3A_4 : i32
    %sign3A_6 = arith.extui %sign3A_5 : i1 to i32
    %sign3A_7 = arith.subi %sign3A_3, %sign3A_6 : i32
    %sign3A_8 = arith.constant 0 : i32
    %sign3A_9 = arith.cmpi sgt, %jit3A, %sign3A_8 : i32
    %sign3A_10 = arith.extui %sign3A_9 : i1 to i32
    %sign3A_11 = arith.constant 0 : i32
    %sign3A_12 = arith.cmpi slt, %jit3A, %sign3A_11 : i32
    %sign3A_13 = arith.extui %sign3A_12 : i1 to i32
    %sign3A_14 = arith.subi %sign3A_10, %sign3A_13 : i32
    %ne3A = arith.cmpi ne, %sign3A_7, %sign3A_14 : i32
    %rem3A = arith.remsi %add3A_1, %jit3A : i32
    %ne3A_15 = arith.constant 0 : i32
    %ne3A_16 = arith.cmpi ne, %rem3A, %ne3A_15 : i32
    %and3A = arith.andi %ne3A, %ne3A_16 : i1
    %sub3A = arith.constant 1 : i32
    %sub3A_17 = arith.subi %div3A, %sub3A : i32
    %select_n3A = arith.select %and3A, %sub3A_17, %div3A : i32
    %mul3A_18 = arith.constant 16 : i32
    %mul3A_19 = arith.muli %arg0, %mul3A_18 : i32
    %add3A_20 = arith.constant 6 : i32
    %add3A_21 = arith.addi %mul3A_19, %add3A_20 : i32
    %jit3A_22 = arith.constant 24 : i32
    %eq3A = arith.constant 0 : i32
    %eq3A_23 = arith.cmpi eq, %jit3A_22, %eq3A : i32
    %jit3A_24 = arith.constant 1 : i32
    %select_n3A_25 = arith.select %eq3A_23, %jit3A_24, %jit3A_22 : i32
    %rem3A_26 = arith.remsi %add3A_21, %select_n3A_25 : i32
    %ne3A_27 = arith.constant 0 : i32
    %ne3A_28 = arith.cmpi ne, %rem3A_26, %ne3A_27 : i32
    %lt3A = arith.constant 0 : i32
    %lt3A_29 = arith.cmpi slt, %rem3A_26, %lt3A : i32
    %lt3A_30 = arith.constant 0 : i32
    %lt3A_31 = arith.cmpi slt, %select_n3A_25, %lt3A_30 : i32
    %ne3A_32 = arith.xori %lt3A_29, %lt3A_31 : i1
    %and3A_33 = arith.andi %ne3A_32, %ne3A_28 : i1
    %add3A_34 = arith.addi %rem3A_26, %select_n3A_25 : i32
    %select_n3A_35 = arith.select %and3A_33, %add3A_34, %rem3A_26 : i32
    %get3A = arith.index_cast %select_n3A : i32 to index
    %get3A_36 = arith.index_cast %select_n3A_35 : i32 to index
    %get3A_37 = memref.load %arg1[%get3A, %get3A_36] : memref<8x24xi32, #tpu.memory_space<smem>>
    %jit3A_38 = arith.constant 8 : i32
    %div3A_39 = arith.divsi %get3A_37, %jit3A_38 : i32
    %sign3A_40 = arith.constant 0 : i32
    %sign3A_41 = arith.cmpi sgt, %get3A_37, %sign3A_40 : i32
    %sign3A_42 = arith.extui %sign3A_41 : i1 to i32
    %sign3A_43 = arith.constant 0 : i32
    %sign3A_44 = arith.cmpi slt, %get3A_37, %sign3A_43 : i32
    %sign3A_45 = arith.extui %sign3A_44 : i1 to i32
    %sign3A_46 = arith.subi %sign3A_42, %sign3A_45 : i32
    %sign3A_47 = arith.constant 0 : i32
    %sign3A_48 = arith.cmpi sgt, %jit3A_38, %sign3A_47 : i32
    %sign3A_49 = arith.extui %sign3A_48 : i1 to i32
    %sign3A_50 = arith.constant 0 : i32
    %sign3A_51 = arith.cmpi slt, %jit3A_38, %sign3A_50 : i32
    %sign3A_52 = arith.extui %sign3A_51 : i1 to i32
    %sign3A_53 = arith.subi %sign3A_49, %sign3A_52 : i32
    %ne3A_54 = arith.cmpi ne, %sign3A_46, %sign3A_53 : i32
    %rem3A_55 = arith.remsi %get3A_37, %jit3A_38 : i32
    %ne3A_56 = arith.constant 0 : i32
    %ne3A_57 = arith.cmpi ne, %rem3A_55, %ne3A_56 : i32
    %and3A_58 = arith.andi %ne3A_54, %ne3A_57 : i1
    %sub3A_59 = arith.constant 1 : i32
    %sub3A_60 = arith.subi %div3A_39, %sub3A_59 : i32
    %select_n3A_61 = arith.select %and3A_58, %sub3A_60, %div3A_39 : i32
    %c0_i32 = arith.constant 0 : i32
    %c0_i32_62 = arith.constant 0 : i32
    return %select_n3A_61, %c0_i32 : i32, i32
  }
  func.func @transform_8(%arg0: i32, %arg1: memref<8x24xi32, #tpu.memory_space<smem>>) -> (i32, i32) {
    %mul3A = arith.constant 16 : i32
    %mul3A_0 = arith.muli %arg0, %mul3A : i32
    %add3A = arith.constant 7 : i32
    %add3A_1 = arith.addi %mul3A_0, %add3A : i32
    %jit3A = arith.constant 24 : i32
    %div3A = arith.divsi %add3A_1, %jit3A : i32
    %sign3A = arith.constant 0 : i32
    %sign3A_2 = arith.cmpi sgt, %add3A_1, %sign3A : i32
    %sign3A_3 = arith.extui %sign3A_2 : i1 to i32
    %sign3A_4 = arith.constant 0 : i32
    %sign3A_5 = arith.cmpi slt, %add3A_1, %sign3A_4 : i32
    %sign3A_6 = arith.extui %sign3A_5 : i1 to i32
    %sign3A_7 = arith.subi %sign3A_3, %sign3A_6 : i32
    %sign3A_8 = arith.constant 0 : i32
    %sign3A_9 = arith.cmpi sgt, %jit3A, %sign3A_8 : i32
    %sign3A_10 = arith.extui %sign3A_9 : i1 to i32
    %sign3A_11 = arith.constant 0 : i32
    %sign3A_12 = arith.cmpi slt, %jit3A, %sign3A_11 : i32
    %sign3A_13 = arith.extui %sign3A_12 : i1 to i32
    %sign3A_14 = arith.subi %sign3A_10, %sign3A_13 : i32
    %ne3A = arith.cmpi ne, %sign3A_7, %sign3A_14 : i32
    %rem3A = arith.remsi %add3A_1, %jit3A : i32
    %ne3A_15 = arith.constant 0 : i32
    %ne3A_16 = arith.cmpi ne, %rem3A, %ne3A_15 : i32
    %and3A = arith.andi %ne3A, %ne3A_16 : i1
    %sub3A = arith.constant 1 : i32
    %sub3A_17 = arith.subi %div3A, %sub3A : i32
    %select_n3A = arith.select %and3A, %sub3A_17, %div3A : i32
    %mul3A_18 = arith.constant 16 : i32
    %mul3A_19 = arith.muli %arg0, %mul3A_18 : i32
    %add3A_20 = arith.constant 7 : i32
    %add3A_21 = arith.addi %mul3A_19, %add3A_20 : i32
    %jit3A_22 = arith.constant 24 : i32
    %eq3A = arith.constant 0 : i32
    %eq3A_23 = arith.cmpi eq, %jit3A_22, %eq3A : i32
    %jit3A_24 = arith.constant 1 : i32
    %select_n3A_25 = arith.select %eq3A_23, %jit3A_24, %jit3A_22 : i32
    %rem3A_26 = arith.remsi %add3A_21, %select_n3A_25 : i32
    %ne3A_27 = arith.constant 0 : i32
    %ne3A_28 = arith.cmpi ne, %rem3A_26, %ne3A_27 : i32
    %lt3A = arith.constant 0 : i32
    %lt3A_29 = arith.cmpi slt, %rem3A_26, %lt3A : i32
    %lt3A_30 = arith.constant 0 : i32
    %lt3A_31 = arith.cmpi slt, %select_n3A_25, %lt3A_30 : i32
    %ne3A_32 = arith.xori %lt3A_29, %lt3A_31 : i1
    %and3A_33 = arith.andi %ne3A_32, %ne3A_28 : i1
    %add3A_34 = arith.addi %rem3A_26, %select_n3A_25 : i32
    %select_n3A_35 = arith.select %and3A_33, %add3A_34, %rem3A_26 : i32
    %get3A = arith.index_cast %select_n3A : i32 to index
    %get3A_36 = arith.index_cast %select_n3A_35 : i32 to index
    %get3A_37 = memref.load %arg1[%get3A, %get3A_36] : memref<8x24xi32, #tpu.memory_space<smem>>
    %jit3A_38 = arith.constant 8 : i32
    %div3A_39 = arith.divsi %get3A_37, %jit3A_38 : i32
    %sign3A_40 = arith.constant 0 : i32
    %sign3A_41 = arith.cmpi sgt, %get3A_37, %sign3A_40 : i32
    %sign3A_42 = arith.extui %sign3A_41 : i1 to i32
    %sign3A_43 = arith.constant 0 : i32
    %sign3A_44 = arith.cmpi slt, %get3A_37, %sign3A_43 : i32
    %sign3A_45 = arith.extui %sign3A_44 : i1 to i32
    %sign3A_46 = arith.subi %sign3A_42, %sign3A_45 : i32
    %sign3A_47 = arith.constant 0 : i32
    %sign3A_48 = arith.cmpi sgt, %jit3A_38, %sign3A_47 : i32
    %sign3A_49 = arith.extui %sign3A_48 : i1 to i32
    %sign3A_50 = arith.constant 0 : i32
    %sign3A_51 = arith.cmpi slt, %jit3A_38, %sign3A_50 : i32
    %sign3A_52 = arith.extui %sign3A_51 : i1 to i32
    %sign3A_53 = arith.subi %sign3A_49, %sign3A_52 : i32
    %ne3A_54 = arith.cmpi ne, %sign3A_46, %sign3A_53 : i32
    %rem3A_55 = arith.remsi %get3A_37, %jit3A_38 : i32
    %ne3A_56 = arith.constant 0 : i32
    %ne3A_57 = arith.cmpi ne, %rem3A_55, %ne3A_56 : i32
    %and3A_58 = arith.andi %ne3A_54, %ne3A_57 : i1
    %sub3A_59 = arith.constant 1 : i32
    %sub3A_60 = arith.subi %div3A_39, %sub3A_59 : i32
    %select_n3A_61 = arith.select %and3A_58, %sub3A_60, %div3A_39 : i32
    %c0_i32 = arith.constant 0 : i32
    %c0_i32_62 = arith.constant 0 : i32
    return %select_n3A_61, %c0_i32 : i32, i32
  }
  func.func @transform_9(%arg0: i32, %arg1: memref<8x24xi32, #tpu.memory_space<smem>>) -> (i32, i32) {
    %mul3A = arith.constant 16 : i32
    %mul3A_0 = arith.muli %arg0, %mul3A : i32
    %add3A = arith.constant 8 : i32
    %add3A_1 = arith.addi %mul3A_0, %add3A : i32
    %jit3A = arith.constant 24 : i32
    %div3A = arith.divsi %add3A_1, %jit3A : i32
    %sign3A = arith.constant 0 : i32
    %sign3A_2 = arith.cmpi sgt, %add3A_1, %sign3A : i32
    %sign3A_3 = arith.extui %sign3A_2 : i1 to i32
    %sign3A_4 = arith.constant 0 : i32
    %sign3A_5 = arith.cmpi slt, %add3A_1, %sign3A_4 : i32
    %sign3A_6 = arith.extui %sign3A_5 : i1 to i32
    %sign3A_7 = arith.subi %sign3A_3, %sign3A_6 : i32
    %sign3A_8 = arith.constant 0 : i32
    %sign3A_9 = arith.cmpi sgt, %jit3A, %sign3A_8 : i32
    %sign3A_10 = arith.extui %sign3A_9 : i1 to i32
    %sign3A_11 = arith.constant 0 : i32
    %sign3A_12 = arith.cmpi slt, %jit3A, %sign3A_11 : i32
    %sign3A_13 = arith.extui %sign3A_12 : i1 to i32
    %sign3A_14 = arith.subi %sign3A_10, %sign3A_13 : i32
    %ne3A = arith.cmpi ne, %sign3A_7, %sign3A_14 : i32
    %rem3A = arith.remsi %add3A_1, %jit3A : i32
    %ne3A_15 = arith.constant 0 : i32
    %ne3A_16 = arith.cmpi ne, %rem3A, %ne3A_15 : i32
    %and3A = arith.andi %ne3A, %ne3A_16 : i1
    %sub3A = arith.constant 1 : i32
    %sub3A_17 = arith.subi %div3A, %sub3A : i32
    %select_n3A = arith.select %and3A, %sub3A_17, %div3A : i32
    %mul3A_18 = arith.constant 16 : i32
    %mul3A_19 = arith.muli %arg0, %mul3A_18 : i32
    %add3A_20 = arith.constant 8 : i32
    %add3A_21 = arith.addi %mul3A_19, %add3A_20 : i32
    %jit3A_22 = arith.constant 24 : i32
    %eq3A = arith.constant 0 : i32
    %eq3A_23 = arith.cmpi eq, %jit3A_22, %eq3A : i32
    %jit3A_24 = arith.constant 1 : i32
    %select_n3A_25 = arith.select %eq3A_23, %jit3A_24, %jit3A_22 : i32
    %rem3A_26 = arith.remsi %add3A_21, %select_n3A_25 : i32
    %ne3A_27 = arith.constant 0 : i32
    %ne3A_28 = arith.cmpi ne, %rem3A_26, %ne3A_27 : i32
    %lt3A = arith.constant 0 : i32
    %lt3A_29 = arith.cmpi slt, %rem3A_26, %lt3A : i32
    %lt3A_30 = arith.constant 0 : i32
    %lt3A_31 = arith.cmpi slt, %select_n3A_25, %lt3A_30 : i32
    %ne3A_32 = arith.xori %lt3A_29, %lt3A_31 : i1
    %and3A_33 = arith.andi %ne3A_32, %ne3A_28 : i1
    %add3A_34 = arith.addi %rem3A_26, %select_n3A_25 : i32
    %select_n3A_35 = arith.select %and3A_33, %add3A_34, %rem3A_26 : i32
    %get3A = arith.index_cast %select_n3A : i32 to index
    %get3A_36 = arith.index_cast %select_n3A_35 : i32 to index
    %get3A_37 = memref.load %arg1[%get3A, %get3A_36] : memref<8x24xi32, #tpu.memory_space<smem>>
    %jit3A_38 = arith.constant 8 : i32
    %div3A_39 = arith.divsi %get3A_37, %jit3A_38 : i32
    %sign3A_40 = arith.constant 0 : i32
    %sign3A_41 = arith.cmpi sgt, %get3A_37, %sign3A_40 : i32
    %sign3A_42 = arith.extui %sign3A_41 : i1 to i32
    %sign3A_43 = arith.constant 0 : i32
    %sign3A_44 = arith.cmpi slt, %get3A_37, %sign3A_43 : i32
    %sign3A_45 = arith.extui %sign3A_44 : i1 to i32
    %sign3A_46 = arith.subi %sign3A_42, %sign3A_45 : i32
    %sign3A_47 = arith.constant 0 : i32
    %sign3A_48 = arith.cmpi sgt, %jit3A_38, %sign3A_47 : i32
    %sign3A_49 = arith.extui %sign3A_48 : i1 to i32
    %sign3A_50 = arith.constant 0 : i32
    %sign3A_51 = arith.cmpi slt, %jit3A_38, %sign3A_50 : i32
    %sign3A_52 = arith.extui %sign3A_51 : i1 to i32
    %sign3A_53 = arith.subi %sign3A_49, %sign3A_52 : i32
    %ne3A_54 = arith.cmpi ne, %sign3A_46, %sign3A_53 : i32
    %rem3A_55 = arith.remsi %get3A_37, %jit3A_38 : i32
    %ne3A_56 = arith.constant 0 : i32
    %ne3A_57 = arith.cmpi ne, %rem3A_55, %ne3A_56 : i32
    %and3A_58 = arith.andi %ne3A_54, %ne3A_57 : i1
    %sub3A_59 = arith.constant 1 : i32
    %sub3A_60 = arith.subi %div3A_39, %sub3A_59 : i32
    %select_n3A_61 = arith.select %and3A_58, %sub3A_60, %div3A_39 : i32
    %c0_i32 = arith.constant 0 : i32
    %c0_i32_62 = arith.constant 0 : i32
    return %select_n3A_61, %c0_i32 : i32, i32
  }
  func.func @transform_10(%arg0: i32, %arg1: memref<8x24xi32, #tpu.memory_space<smem>>) -> (i32, i32) {
    %mul3A = arith.constant 16 : i32
    %mul3A_0 = arith.muli %arg0, %mul3A : i32
    %add3A = arith.constant 9 : i32
    %add3A_1 = arith.addi %mul3A_0, %add3A : i32
    %jit3A = arith.constant 24 : i32
    %div3A = arith.divsi %add3A_1, %jit3A : i32
    %sign3A = arith.constant 0 : i32
    %sign3A_2 = arith.cmpi sgt, %add3A_1, %sign3A : i32
    %sign3A_3 = arith.extui %sign3A_2 : i1 to i32
    %sign3A_4 = arith.constant 0 : i32
    %sign3A_5 = arith.cmpi slt, %add3A_1, %sign3A_4 : i32
    %sign3A_6 = arith.extui %sign3A_5 : i1 to i32
    %sign3A_7 = arith.subi %sign3A_3, %sign3A_6 : i32
    %sign3A_8 = arith.constant 0 : i32
    %sign3A_9 = arith.cmpi sgt, %jit3A, %sign3A_8 : i32
    %sign3A_10 = arith.extui %sign3A_9 : i1 to i32
    %sign3A_11 = arith.constant 0 : i32
    %sign3A_12 = arith.cmpi slt, %jit3A, %sign3A_11 : i32
    %sign3A_13 = arith.extui %sign3A_12 : i1 to i32
    %sign3A_14 = arith.subi %sign3A_10, %sign3A_13 : i32
    %ne3A = arith.cmpi ne, %sign3A_7, %sign3A_14 : i32
    %rem3A = arith.remsi %add3A_1, %jit3A : i32
    %ne3A_15 = arith.constant 0 : i32
    %ne3A_16 = arith.cmpi ne, %rem3A, %ne3A_15 : i32
    %and3A = arith.andi %ne3A, %ne3A_16 : i1
    %sub3A = arith.constant 1 : i32
    %sub3A_17 = arith.subi %div3A, %sub3A : i32
    %select_n3A = arith.select %and3A, %sub3A_17, %div3A : i32
    %mul3A_18 = arith.constant 16 : i32
    %mul3A_19 = arith.muli %arg0, %mul3A_18 : i32
    %add3A_20 = arith.constant 9 : i32
    %add3A_21 = arith.addi %mul3A_19, %add3A_20 : i32
    %jit3A_22 = arith.constant 24 : i32
    %eq3A = arith.constant 0 : i32
    %eq3A_23 = arith.cmpi eq, %jit3A_22, %eq3A : i32
    %jit3A_24 = arith.constant 1 : i32
    %select_n3A_25 = arith.select %eq3A_23, %jit3A_24, %jit3A_22 : i32
    %rem3A_26 = arith.remsi %add3A_21, %select_n3A_25 : i32
    %ne3A_27 = arith.constant 0 : i32
    %ne3A_28 = arith.cmpi ne, %rem3A_26, %ne3A_27 : i32
    %lt3A = arith.constant 0 : i32
    %lt3A_29 = arith.cmpi slt, %rem3A_26, %lt3A : i32
    %lt3A_30 = arith.constant 0 : i32
    %lt3A_31 = arith.cmpi slt, %select_n3A_25, %lt3A_30 : i32
    %ne3A_32 = arith.xori %lt3A_29, %lt3A_31 : i1
    %and3A_33 = arith.andi %ne3A_32, %ne3A_28 : i1
    %add3A_34 = arith.addi %rem3A_26, %select_n3A_25 : i32
    %select_n3A_35 = arith.select %and3A_33, %add3A_34, %rem3A_26 : i32
    %get3A = arith.index_cast %select_n3A : i32 to index
    %get3A_36 = arith.index_cast %select_n3A_35 : i32 to index
    %get3A_37 = memref.load %arg1[%get3A, %get3A_36] : memref<8x24xi32, #tpu.memory_space<smem>>
    %jit3A_38 = arith.constant 8 : i32
    %div3A_39 = arith.divsi %get3A_37, %jit3A_38 : i32
    %sign3A_40 = arith.constant 0 : i32
    %sign3A_41 = arith.cmpi sgt, %get3A_37, %sign3A_40 : i32
    %sign3A_42 = arith.extui %sign3A_41 : i1 to i32
    %sign3A_43 = arith.constant 0 : i32
    %sign3A_44 = arith.cmpi slt, %get3A_37, %sign3A_43 : i32
    %sign3A_45 = arith.extui %sign3A_44 : i1 to i32
    %sign3A_46 = arith.subi %sign3A_42, %sign3A_45 : i32
    %sign3A_47 = arith.constant 0 : i32
    %sign3A_48 = arith.cmpi sgt, %jit3A_38, %sign3A_47 : i32
    %sign3A_49 = arith.extui %sign3A_48 : i1 to i32
    %sign3A_50 = arith.constant 0 : i32
    %sign3A_51 = arith.cmpi slt, %jit3A_38, %sign3A_50 : i32
    %sign3A_52 = arith.extui %sign3A_51 : i1 to i32
    %sign3A_53 = arith.subi %sign3A_49, %sign3A_52 : i32
    %ne3A_54 = arith.cmpi ne, %sign3A_46, %sign3A_53 : i32
    %rem3A_55 = arith.remsi %get3A_37, %jit3A_38 : i32
    %ne3A_56 = arith.constant 0 : i32
    %ne3A_57 = arith.cmpi ne, %rem3A_55, %ne3A_56 : i32
    %and3A_58 = arith.andi %ne3A_54, %ne3A_57 : i1
    %sub3A_59 = arith.constant 1 : i32
    %sub3A_60 = arith.subi %div3A_39, %sub3A_59 : i32
    %select_n3A_61 = arith.select %and3A_58, %sub3A_60, %div3A_39 : i32
    %c0_i32 = arith.constant 0 : i32
    %c0_i32_62 = arith.constant 0 : i32
    return %select_n3A_61, %c0_i32 : i32, i32
  }
  func.func @transform_11(%arg0: i32, %arg1: memref<8x24xi32, #tpu.memory_space<smem>>) -> (i32, i32) {
    %mul3A = arith.constant 16 : i32
    %mul3A_0 = arith.muli %arg0, %mul3A : i32
    %add3A = arith.constant 10 : i32
    %add3A_1 = arith.addi %mul3A_0, %add3A : i32
    %jit3A = arith.constant 24 : i32
    %div3A = arith.divsi %add3A_1, %jit3A : i32
    %sign3A = arith.constant 0 : i32
    %sign3A_2 = arith.cmpi sgt, %add3A_1, %sign3A : i32
    %sign3A_3 = arith.extui %sign3A_2 : i1 to i32
    %sign3A_4 = arith.constant 0 : i32
    %sign3A_5 = arith.cmpi slt, %add3A_1, %sign3A_4 : i32
    %sign3A_6 = arith.extui %sign3A_5 : i1 to i32
    %sign3A_7 = arith.subi %sign3A_3, %sign3A_6 : i32
    %sign3A_8 = arith.constant 0 : i32
    %sign3A_9 = arith.cmpi sgt, %jit3A, %sign3A_8 : i32
    %sign3A_10 = arith.extui %sign3A_9 : i1 to i32
    %sign3A_11 = arith.constant 0 : i32
    %sign3A_12 = arith.cmpi slt, %jit3A, %sign3A_11 : i32
    %sign3A_13 = arith.extui %sign3A_12 : i1 to i32
    %sign3A_14 = arith.subi %sign3A_10, %sign3A_13 : i32
    %ne3A = arith.cmpi ne, %sign3A_7, %sign3A_14 : i32
    %rem3A = arith.remsi %add3A_1, %jit3A : i32
    %ne3A_15 = arith.constant 0 : i32
    %ne3A_16 = arith.cmpi ne, %rem3A, %ne3A_15 : i32
    %and3A = arith.andi %ne3A, %ne3A_16 : i1
    %sub3A = arith.constant 1 : i32
    %sub3A_17 = arith.subi %div3A, %sub3A : i32
    %select_n3A = arith.select %and3A, %sub3A_17, %div3A : i32
    %mul3A_18 = arith.constant 16 : i32
    %mul3A_19 = arith.muli %arg0, %mul3A_18 : i32
    %add3A_20 = arith.constant 10 : i32
    %add3A_21 = arith.addi %mul3A_19, %add3A_20 : i32
    %jit3A_22 = arith.constant 24 : i32
    %eq3A = arith.constant 0 : i32
    %eq3A_23 = arith.cmpi eq, %jit3A_22, %eq3A : i32
    %jit3A_24 = arith.constant 1 : i32
    %select_n3A_25 = arith.select %eq3A_23, %jit3A_24, %jit3A_22 : i32
    %rem3A_26 = arith.remsi %add3A_21, %select_n3A_25 : i32
    %ne3A_27 = arith.constant 0 : i32
    %ne3A_28 = arith.cmpi ne, %rem3A_26, %ne3A_27 : i32
    %lt3A = arith.constant 0 : i32
    %lt3A_29 = arith.cmpi slt, %rem3A_26, %lt3A : i32
    %lt3A_30 = arith.constant 0 : i32
    %lt3A_31 = arith.cmpi slt, %select_n3A_25, %lt3A_30 : i32
    %ne3A_32 = arith.xori %lt3A_29, %lt3A_31 : i1
    %and3A_33 = arith.andi %ne3A_32, %ne3A_28 : i1
    %add3A_34 = arith.addi %rem3A_26, %select_n3A_25 : i32
    %select_n3A_35 = arith.select %and3A_33, %add3A_34, %rem3A_26 : i32
    %get3A = arith.index_cast %select_n3A : i32 to index
    %get3A_36 = arith.index_cast %select_n3A_35 : i32 to index
    %get3A_37 = memref.load %arg1[%get3A, %get3A_36] : memref<8x24xi32, #tpu.memory_space<smem>>
    %jit3A_38 = arith.constant 8 : i32
    %div3A_39 = arith.divsi %get3A_37, %jit3A_38 : i32
    %sign3A_40 = arith.constant 0 : i32
    %sign3A_41 = arith.cmpi sgt, %get3A_37, %sign3A_40 : i32
    %sign3A_42 = arith.extui %sign3A_41 : i1 to i32
    %sign3A_43 = arith.constant 0 : i32
    %sign3A_44 = arith.cmpi slt, %get3A_37, %sign3A_43 : i32
    %sign3A_45 = arith.extui %sign3A_44 : i1 to i32
    %sign3A_46 = arith.subi %sign3A_42, %sign3A_45 : i32
    %sign3A_47 = arith.constant 0 : i32
    %sign3A_48 = arith.cmpi sgt, %jit3A_38, %sign3A_47 : i32
    %sign3A_49 = arith.extui %sign3A_48 : i1 to i32
    %sign3A_50 = arith.constant 0 : i32
    %sign3A_51 = arith.cmpi slt, %jit3A_38, %sign3A_50 : i32
    %sign3A_52 = arith.extui %sign3A_51 : i1 to i32
    %sign3A_53 = arith.subi %sign3A_49, %sign3A_52 : i32
    %ne3A_54 = arith.cmpi ne, %sign3A_46, %sign3A_53 : i32
    %rem3A_55 = arith.remsi %get3A_37, %jit3A_38 : i32
    %ne3A_56 = arith.constant 0 : i32
    %ne3A_57 = arith.cmpi ne, %rem3A_55, %ne3A_56 : i32
    %and3A_58 = arith.andi %ne3A_54, %ne3A_57 : i1
    %sub3A_59 = arith.constant 1 : i32
    %sub3A_60 = arith.subi %div3A_39, %sub3A_59 : i32
    %select_n3A_61 = arith.select %and3A_58, %sub3A_60, %div3A_39 : i32
    %c0_i32 = arith.constant 0 : i32
    %c0_i32_62 = arith.constant 0 : i32
    return %select_n3A_61, %c0_i32 : i32, i32
  }
  func.func @transform_12(%arg0: i32, %arg1: memref<8x24xi32, #tpu.memory_space<smem>>) -> (i32, i32) {
    %mul3A = arith.constant 16 : i32
    %mul3A_0 = arith.muli %arg0, %mul3A : i32
    %add3A = arith.constant 11 : i32
    %add3A_1 = arith.addi %mul3A_0, %add3A : i32
    %jit3A = arith.constant 24 : i32
    %div3A = arith.divsi %add3A_1, %jit3A : i32
    %sign3A = arith.constant 0 : i32
    %sign3A_2 = arith.cmpi sgt, %add3A_1, %sign3A : i32
    %sign3A_3 = arith.extui %sign3A_2 : i1 to i32
    %sign3A_4 = arith.constant 0 : i32
    %sign3A_5 = arith.cmpi slt, %add3A_1, %sign3A_4 : i32
    %sign3A_6 = arith.extui %sign3A_5 : i1 to i32
    %sign3A_7 = arith.subi %sign3A_3, %sign3A_6 : i32
    %sign3A_8 = arith.constant 0 : i32
    %sign3A_9 = arith.cmpi sgt, %jit3A, %sign3A_8 : i32
    %sign3A_10 = arith.extui %sign3A_9 : i1 to i32
    %sign3A_11 = arith.constant 0 : i32
    %sign3A_12 = arith.cmpi slt, %jit3A, %sign3A_11 : i32
    %sign3A_13 = arith.extui %sign3A_12 : i1 to i32
    %sign3A_14 = arith.subi %sign3A_10, %sign3A_13 : i32
    %ne3A = arith.cmpi ne, %sign3A_7, %sign3A_14 : i32
    %rem3A = arith.remsi %add3A_1, %jit3A : i32
    %ne3A_15 = arith.constant 0 : i32
    %ne3A_16 = arith.cmpi ne, %rem3A, %ne3A_15 : i32
    %and3A = arith.andi %ne3A, %ne3A_16 : i1
    %sub3A = arith.constant 1 : i32
    %sub3A_17 = arith.subi %div3A, %sub3A : i32
    %select_n3A = arith.select %and3A, %sub3A_17, %div3A : i32
    %mul3A_18 = arith.constant 16 : i32
    %mul3A_19 = arith.muli %arg0, %mul3A_18 : i32
    %add3A_20 = arith.constant 11 : i32
    %add3A_21 = arith.addi %mul3A_19, %add3A_20 : i32
    %jit3A_22 = arith.constant 24 : i32
    %eq3A = arith.constant 0 : i32
    %eq3A_23 = arith.cmpi eq, %jit3A_22, %eq3A : i32
    %jit3A_24 = arith.constant 1 : i32
    %select_n3A_25 = arith.select %eq3A_23, %jit3A_24, %jit3A_22 : i32
    %rem3A_26 = arith.remsi %add3A_21, %select_n3A_25 : i32
    %ne3A_27 = arith.constant 0 : i32
    %ne3A_28 = arith.cmpi ne, %rem3A_26, %ne3A_27 : i32
    %lt3A = arith.constant 0 : i32
    %lt3A_29 = arith.cmpi slt, %rem3A_26, %lt3A : i32
    %lt3A_30 = arith.constant 0 : i32
    %lt3A_31 = arith.cmpi slt, %select_n3A_25, %lt3A_30 : i32
    %ne3A_32 = arith.xori %lt3A_29, %lt3A_31 : i1
    %and3A_33 = arith.andi %ne3A_32, %ne3A_28 : i1
    %add3A_34 = arith.addi %rem3A_26, %select_n3A_25 : i32
    %select_n3A_35 = arith.select %and3A_33, %add3A_34, %rem3A_26 : i32
    %get3A = arith.index_cast %select_n3A : i32 to index
    %get3A_36 = arith.index_cast %select_n3A_35 : i32 to index
    %get3A_37 = memref.load %arg1[%get3A, %get3A_36] : memref<8x24xi32, #tpu.memory_space<smem>>
    %jit3A_38 = arith.constant 8 : i32
    %div3A_39 = arith.divsi %get3A_37, %jit3A_38 : i32
    %sign3A_40 = arith.constant 0 : i32
    %sign3A_41 = arith.cmpi sgt, %get3A_37, %sign3A_40 : i32
    %sign3A_42 = arith.extui %sign3A_41 : i1 to i32
    %sign3A_43 = arith.constant 0 : i32
    %sign3A_44 = arith.cmpi slt, %get3A_37, %sign3A_43 : i32
    %sign3A_45 = arith.extui %sign3A_44 : i1 to i32
    %sign3A_46 = arith.subi %sign3A_42, %sign3A_45 : i32
    %sign3A_47 = arith.constant 0 : i32
    %sign3A_48 = arith.cmpi sgt, %jit3A_38, %sign3A_47 : i32
    %sign3A_49 = arith.extui %sign3A_48 : i1 to i32
    %sign3A_50 = arith.constant 0 : i32
    %sign3A_51 = arith.cmpi slt, %jit3A_38, %sign3A_50 : i32
    %sign3A_52 = arith.extui %sign3A_51 : i1 to i32
    %sign3A_53 = arith.subi %sign3A_49, %sign3A_52 : i32
    %ne3A_54 = arith.cmpi ne, %sign3A_46, %sign3A_53 : i32
    %rem3A_55 = arith.remsi %get3A_37, %jit3A_38 : i32
    %ne3A_56 = arith.constant 0 : i32
    %ne3A_57 = arith.cmpi ne, %rem3A_55, %ne3A_56 : i32
    %and3A_58 = arith.andi %ne3A_54, %ne3A_57 : i1
    %sub3A_59 = arith.constant 1 : i32
    %sub3A_60 = arith.subi %div3A_39, %sub3A_59 : i32
    %select_n3A_61 = arith.select %and3A_58, %sub3A_60, %div3A_39 : i32
    %c0_i32 = arith.constant 0 : i32
    %c0_i32_62 = arith.constant 0 : i32
    return %select_n3A_61, %c0_i32 : i32, i32
  }
  func.func @transform_13(%arg0: i32, %arg1: memref<8x24xi32, #tpu.memory_space<smem>>) -> (i32, i32) {
    %mul3A = arith.constant 16 : i32
    %mul3A_0 = arith.muli %arg0, %mul3A : i32
    %add3A = arith.constant 12 : i32
    %add3A_1 = arith.addi %mul3A_0, %add3A : i32
    %jit3A = arith.constant 24 : i32
    %div3A = arith.divsi %add3A_1, %jit3A : i32
    %sign3A = arith.constant 0 : i32
    %sign3A_2 = arith.cmpi sgt, %add3A_1, %sign3A : i32
    %sign3A_3 = arith.extui %sign3A_2 : i1 to i32
    %sign3A_4 = arith.constant 0 : i32
    %sign3A_5 = arith.cmpi slt, %add3A_1, %sign3A_4 : i32
    %sign3A_6 = arith.extui %sign3A_5 : i1 to i32
    %sign3A_7 = arith.subi %sign3A_3, %sign3A_6 : i32
    %sign3A_8 = arith.constant 0 : i32
    %sign3A_9 = arith.cmpi sgt, %jit3A, %sign3A_8 : i32
    %sign3A_10 = arith.extui %sign3A_9 : i1 to i32
    %sign3A_11 = arith.constant 0 : i32
    %sign3A_12 = arith.cmpi slt, %jit3A, %sign3A_11 : i32
    %sign3A_13 = arith.extui %sign3A_12 : i1 to i32
    %sign3A_14 = arith.subi %sign3A_10, %sign3A_13 : i32
    %ne3A = arith.cmpi ne, %sign3A_7, %sign3A_14 : i32
    %rem3A = arith.remsi %add3A_1, %jit3A : i32
    %ne3A_15 = arith.constant 0 : i32
    %ne3A_16 = arith.cmpi ne, %rem3A, %ne3A_15 : i32
    %and3A = arith.andi %ne3A, %ne3A_16 : i1
    %sub3A = arith.constant 1 : i32
    %sub3A_17 = arith.subi %div3A, %sub3A : i32
    %select_n3A = arith.select %and3A, %sub3A_17, %div3A : i32
    %mul3A_18 = arith.constant 16 : i32
    %mul3A_19 = arith.muli %arg0, %mul3A_18 : i32
    %add3A_20 = arith.constant 12 : i32
    %add3A_21 = arith.addi %mul3A_19, %add3A_20 : i32
    %jit3A_22 = arith.constant 24 : i32
    %eq3A = arith.constant 0 : i32
    %eq3A_23 = arith.cmpi eq, %jit3A_22, %eq3A : i32
    %jit3A_24 = arith.constant 1 : i32
    %select_n3A_25 = arith.select %eq3A_23, %jit3A_24, %jit3A_22 : i32
    %rem3A_26 = arith.remsi %add3A_21, %select_n3A_25 : i32
    %ne3A_27 = arith.constant 0 : i32
    %ne3A_28 = arith.cmpi ne, %rem3A_26, %ne3A_27 : i32
    %lt3A = arith.constant 0 : i32
    %lt3A_29 = arith.cmpi slt, %rem3A_26, %lt3A : i32
    %lt3A_30 = arith.constant 0 : i32
    %lt3A_31 = arith.cmpi slt, %select_n3A_25, %lt3A_30 : i32
    %ne3A_32 = arith.xori %lt3A_29, %lt3A_31 : i1
    %and3A_33 = arith.andi %ne3A_32, %ne3A_28 : i1
    %add3A_34 = arith.addi %rem3A_26, %select_n3A_25 : i32
    %select_n3A_35 = arith.select %and3A_33, %add3A_34, %rem3A_26 : i32
    %get3A = arith.index_cast %select_n3A : i32 to index
    %get3A_36 = arith.index_cast %select_n3A_35 : i32 to index
    %get3A_37 = memref.load %arg1[%get3A, %get3A_36] : memref<8x24xi32, #tpu.memory_space<smem>>
    %jit3A_38 = arith.constant 8 : i32
    %div3A_39 = arith.divsi %get3A_37, %jit3A_38 : i32
    %sign3A_40 = arith.constant 0 : i32
    %sign3A_41 = arith.cmpi sgt, %get3A_37, %sign3A_40 : i32
    %sign3A_42 = arith.extui %sign3A_41 : i1 to i32
    %sign3A_43 = arith.constant 0 : i32
    %sign3A_44 = arith.cmpi slt, %get3A_37, %sign3A_43 : i32
    %sign3A_45 = arith.extui %sign3A_44 : i1 to i32
    %sign3A_46 = arith.subi %sign3A_42, %sign3A_45 : i32
    %sign3A_47 = arith.constant 0 : i32
    %sign3A_48 = arith.cmpi sgt, %jit3A_38, %sign3A_47 : i32
    %sign3A_49 = arith.extui %sign3A_48 : i1 to i32
    %sign3A_50 = arith.constant 0 : i32
    %sign3A_51 = arith.cmpi slt, %jit3A_38, %sign3A_50 : i32
    %sign3A_52 = arith.extui %sign3A_51 : i1 to i32
    %sign3A_53 = arith.subi %sign3A_49, %sign3A_52 : i32
    %ne3A_54 = arith.cmpi ne, %sign3A_46, %sign3A_53 : i32
    %rem3A_55 = arith.remsi %get3A_37, %jit3A_38 : i32
    %ne3A_56 = arith.constant 0 : i32
    %ne3A_57 = arith.cmpi ne, %rem3A_55, %ne3A_56 : i32
    %and3A_58 = arith.andi %ne3A_54, %ne3A_57 : i1
    %sub3A_59 = arith.constant 1 : i32
    %sub3A_60 = arith.subi %div3A_39, %sub3A_59 : i32
    %select_n3A_61 = arith.select %and3A_58, %sub3A_60, %div3A_39 : i32
    %c0_i32 = arith.constant 0 : i32
    %c0_i32_62 = arith.constant 0 : i32
    return %select_n3A_61, %c0_i32 : i32, i32
  }
  func.func @transform_14(%arg0: i32, %arg1: memref<8x24xi32, #tpu.memory_space<smem>>) -> (i32, i32) {
    %mul3A = arith.constant 16 : i32
    %mul3A_0 = arith.muli %arg0, %mul3A : i32
    %add3A = arith.constant 13 : i32
    %add3A_1 = arith.addi %mul3A_0, %add3A : i32
    %jit3A = arith.constant 24 : i32
    %div3A = arith.divsi %add3A_1, %jit3A : i32
    %sign3A = arith.constant 0 : i32
    %sign3A_2 = arith.cmpi sgt, %add3A_1, %sign3A : i32
    %sign3A_3 = arith.extui %sign3A_2 : i1 to i32
    %sign3A_4 = arith.constant 0 : i32
    %sign3A_5 = arith.cmpi slt, %add3A_1, %sign3A_4 : i32
    %sign3A_6 = arith.extui %sign3A_5 : i1 to i32
    %sign3A_7 = arith.subi %sign3A_3, %sign3A_6 : i32
    %sign3A_8 = arith.constant 0 : i32
    %sign3A_9 = arith.cmpi sgt, %jit3A, %sign3A_8 : i32
    %sign3A_10 = arith.extui %sign3A_9 : i1 to i32
    %sign3A_11 = arith.constant 0 : i32
    %sign3A_12 = arith.cmpi slt, %jit3A, %sign3A_11 : i32
    %sign3A_13 = arith.extui %sign3A_12 : i1 to i32
    %sign3A_14 = arith.subi %sign3A_10, %sign3A_13 : i32
    %ne3A = arith.cmpi ne, %sign3A_7, %sign3A_14 : i32
    %rem3A = arith.remsi %add3A_1, %jit3A : i32
    %ne3A_15 = arith.constant 0 : i32
    %ne3A_16 = arith.cmpi ne, %rem3A, %ne3A_15 : i32
    %and3A = arith.andi %ne3A, %ne3A_16 : i1
    %sub3A = arith.constant 1 : i32
    %sub3A_17 = arith.subi %div3A, %sub3A : i32
    %select_n3A = arith.select %and3A, %sub3A_17, %div3A : i32
    %mul3A_18 = arith.constant 16 : i32
    %mul3A_19 = arith.muli %arg0, %mul3A_18 : i32
    %add3A_20 = arith.constant 13 : i32
    %add3A_21 = arith.addi %mul3A_19, %add3A_20 : i32
    %jit3A_22 = arith.constant 24 : i32
    %eq3A = arith.constant 0 : i32
    %eq3A_23 = arith.cmpi eq, %jit3A_22, %eq3A : i32
    %jit3A_24 = arith.constant 1 : i32
    %select_n3A_25 = arith.select %eq3A_23, %jit3A_24, %jit3A_22 : i32
    %rem3A_26 = arith.remsi %add3A_21, %select_n3A_25 : i32
    %ne3A_27 = arith.constant 0 : i32
    %ne3A_28 = arith.cmpi ne, %rem3A_26, %ne3A_27 : i32
    %lt3A = arith.constant 0 : i32
    %lt3A_29 = arith.cmpi slt, %rem3A_26, %lt3A : i32
    %lt3A_30 = arith.constant 0 : i32
    %lt3A_31 = arith.cmpi slt, %select_n3A_25, %lt3A_30 : i32
    %ne3A_32 = arith.xori %lt3A_29, %lt3A_31 : i1
    %and3A_33 = arith.andi %ne3A_32, %ne3A_28 : i1
    %add3A_34 = arith.addi %rem3A_26, %select_n3A_25 : i32
    %select_n3A_35 = arith.select %and3A_33, %add3A_34, %rem3A_26 : i32
    %get3A = arith.index_cast %select_n3A : i32 to index
    %get3A_36 = arith.index_cast %select_n3A_35 : i32 to index
    %get3A_37 = memref.load %arg1[%get3A, %get3A_36] : memref<8x24xi32, #tpu.memory_space<smem>>
    %jit3A_38 = arith.constant 8 : i32
    %div3A_39 = arith.divsi %get3A_37, %jit3A_38 : i32
    %sign3A_40 = arith.constant 0 : i32
    %sign3A_41 = arith.cmpi sgt, %get3A_37, %sign3A_40 : i32
    %sign3A_42 = arith.extui %sign3A_41 : i1 to i32
    %sign3A_43 = arith.constant 0 : i32
    %sign3A_44 = arith.cmpi slt, %get3A_37, %sign3A_43 : i32
    %sign3A_45 = arith.extui %sign3A_44 : i1 to i32
    %sign3A_46 = arith.subi %sign3A_42, %sign3A_45 : i32
    %sign3A_47 = arith.constant 0 : i32
    %sign3A_48 = arith.cmpi sgt, %jit3A_38, %sign3A_47 : i32
    %sign3A_49 = arith.extui %sign3A_48 : i1 to i32
    %sign3A_50 = arith.constant 0 : i32
    %sign3A_51 = arith.cmpi slt, %jit3A_38, %sign3A_50 : i32
    %sign3A_52 = arith.extui %sign3A_51 : i1 to i32
    %sign3A_53 = arith.subi %sign3A_49, %sign3A_52 : i32
    %ne3A_54 = arith.cmpi ne, %sign3A_46, %sign3A_53 : i32
    %rem3A_55 = arith.remsi %get3A_37, %jit3A_38 : i32
    %ne3A_56 = arith.constant 0 : i32
    %ne3A_57 = arith.cmpi ne, %rem3A_55, %ne3A_56 : i32
    %and3A_58 = arith.andi %ne3A_54, %ne3A_57 : i1
    %sub3A_59 = arith.constant 1 : i32
    %sub3A_60 = arith.subi %div3A_39, %sub3A_59 : i32
    %select_n3A_61 = arith.select %and3A_58, %sub3A_60, %div3A_39 : i32
    %c0_i32 = arith.constant 0 : i32
    %c0_i32_62 = arith.constant 0 : i32
    return %select_n3A_61, %c0_i32 : i32, i32
  }
  func.func @transform_15(%arg0: i32, %arg1: memref<8x24xi32, #tpu.memory_space<smem>>) -> (i32, i32) {
    %mul3A = arith.constant 16 : i32
    %mul3A_0 = arith.muli %arg0, %mul3A : i32
    %add3A = arith.constant 14 : i32
    %add3A_1 = arith.addi %mul3A_0, %add3A : i32
    %jit3A = arith.constant 24 : i32
    %div3A = arith.divsi %add3A_1, %jit3A : i32
    %sign3A = arith.constant 0 : i32
    %sign3A_2 = arith.cmpi sgt, %add3A_1, %sign3A : i32
    %sign3A_3 = arith.extui %sign3A_2 : i1 to i32
    %sign3A_4 = arith.constant 0 : i32
    %sign3A_5 = arith.cmpi slt, %add3A_1, %sign3A_4 : i32
    %sign3A_6 = arith.extui %sign3A_5 : i1 to i32
    %sign3A_7 = arith.subi %sign3A_3, %sign3A_6 : i32
    %sign3A_8 = arith.constant 0 : i32
    %sign3A_9 = arith.cmpi sgt, %jit3A, %sign3A_8 : i32
    %sign3A_10 = arith.extui %sign3A_9 : i1 to i32
    %sign3A_11 = arith.constant 0 : i32
    %sign3A_12 = arith.cmpi slt, %jit3A, %sign3A_11 : i32
    %sign3A_13 = arith.extui %sign3A_12 : i1 to i32
    %sign3A_14 = arith.subi %sign3A_10, %sign3A_13 : i32
    %ne3A = arith.cmpi ne, %sign3A_7, %sign3A_14 : i32
    %rem3A = arith.remsi %add3A_1, %jit3A : i32
    %ne3A_15 = arith.constant 0 : i32
    %ne3A_16 = arith.cmpi ne, %rem3A, %ne3A_15 : i32
    %and3A = arith.andi %ne3A, %ne3A_16 : i1
    %sub3A = arith.constant 1 : i32
    %sub3A_17 = arith.subi %div3A, %sub3A : i32
    %select_n3A = arith.select %and3A, %sub3A_17, %div3A : i32
    %mul3A_18 = arith.constant 16 : i32
    %mul3A_19 = arith.muli %arg0, %mul3A_18 : i32
    %add3A_20 = arith.constant 14 : i32
    %add3A_21 = arith.addi %mul3A_19, %add3A_20 : i32
    %jit3A_22 = arith.constant 24 : i32
    %eq3A = arith.constant 0 : i32
    %eq3A_23 = arith.cmpi eq, %jit3A_22, %eq3A : i32
    %jit3A_24 = arith.constant 1 : i32
    %select_n3A_25 = arith.select %eq3A_23, %jit3A_24, %jit3A_22 : i32
    %rem3A_26 = arith.remsi %add3A_21, %select_n3A_25 : i32
    %ne3A_27 = arith.constant 0 : i32
    %ne3A_28 = arith.cmpi ne, %rem3A_26, %ne3A_27 : i32
    %lt3A = arith.constant 0 : i32
    %lt3A_29 = arith.cmpi slt, %rem3A_26, %lt3A : i32
    %lt3A_30 = arith.constant 0 : i32
    %lt3A_31 = arith.cmpi slt, %select_n3A_25, %lt3A_30 : i32
    %ne3A_32 = arith.xori %lt3A_29, %lt3A_31 : i1
    %and3A_33 = arith.andi %ne3A_32, %ne3A_28 : i1
    %add3A_34 = arith.addi %rem3A_26, %select_n3A_25 : i32
    %select_n3A_35 = arith.select %and3A_33, %add3A_34, %rem3A_26 : i32
    %get3A = arith.index_cast %select_n3A : i32 to index
    %get3A_36 = arith.index_cast %select_n3A_35 : i32 to index
    %get3A_37 = memref.load %arg1[%get3A, %get3A_36] : memref<8x24xi32, #tpu.memory_space<smem>>
    %jit3A_38 = arith.constant 8 : i32
    %div3A_39 = arith.divsi %get3A_37, %jit3A_38 : i32
    %sign3A_40 = arith.constant 0 : i32
    %sign3A_41 = arith.cmpi sgt, %get3A_37, %sign3A_40 : i32
    %sign3A_42 = arith.extui %sign3A_41 : i1 to i32
    %sign3A_43 = arith.constant 0 : i32
    %sign3A_44 = arith.cmpi slt, %get3A_37, %sign3A_43 : i32
    %sign3A_45 = arith.extui %sign3A_44 : i1 to i32
    %sign3A_46 = arith.subi %sign3A_42, %sign3A_45 : i32
    %sign3A_47 = arith.constant 0 : i32
    %sign3A_48 = arith.cmpi sgt, %jit3A_38, %sign3A_47 : i32
    %sign3A_49 = arith.extui %sign3A_48 : i1 to i32
    %sign3A_50 = arith.constant 0 : i32
    %sign3A_51 = arith.cmpi slt, %jit3A_38, %sign3A_50 : i32
    %sign3A_52 = arith.extui %sign3A_51 : i1 to i32
    %sign3A_53 = arith.subi %sign3A_49, %sign3A_52 : i32
    %ne3A_54 = arith.cmpi ne, %sign3A_46, %sign3A_53 : i32
    %rem3A_55 = arith.remsi %get3A_37, %jit3A_38 : i32
    %ne3A_56 = arith.constant 0 : i32
    %ne3A_57 = arith.cmpi ne, %rem3A_55, %ne3A_56 : i32
    %and3A_58 = arith.andi %ne3A_54, %ne3A_57 : i1
    %sub3A_59 = arith.constant 1 : i32
    %sub3A_60 = arith.subi %div3A_39, %sub3A_59 : i32
    %select_n3A_61 = arith.select %and3A_58, %sub3A_60, %div3A_39 : i32
    %c0_i32 = arith.constant 0 : i32
    %c0_i32_62 = arith.constant 0 : i32
    return %select_n3A_61, %c0_i32 : i32, i32
  }
  func.func @transform_16(%arg0: i32, %arg1: memref<8x24xi32, #tpu.memory_space<smem>>) -> (i32, i32) {
    %mul3A = arith.constant 16 : i32
    %mul3A_0 = arith.muli %arg0, %mul3A : i32
    %add3A = arith.constant 15 : i32
    %add3A_1 = arith.addi %mul3A_0, %add3A : i32
    %jit3A = arith.constant 24 : i32
    %div3A = arith.divsi %add3A_1, %jit3A : i32
    %sign3A = arith.constant 0 : i32
    %sign3A_2 = arith.cmpi sgt, %add3A_1, %sign3A : i32
    %sign3A_3 = arith.extui %sign3A_2 : i1 to i32
    %sign3A_4 = arith.constant 0 : i32
    %sign3A_5 = arith.cmpi slt, %add3A_1, %sign3A_4 : i32
    %sign3A_6 = arith.extui %sign3A_5 : i1 to i32
    %sign3A_7 = arith.subi %sign3A_3, %sign3A_6 : i32
    %sign3A_8 = arith.constant 0 : i32
    %sign3A_9 = arith.cmpi sgt, %jit3A, %sign3A_8 : i32
    %sign3A_10 = arith.extui %sign3A_9 : i1 to i32
    %sign3A_11 = arith.constant 0 : i32
    %sign3A_12 = arith.cmpi slt, %jit3A, %sign3A_11 : i32
    %sign3A_13 = arith.extui %sign3A_12 : i1 to i32
    %sign3A_14 = arith.subi %sign3A_10, %sign3A_13 : i32
    %ne3A = arith.cmpi ne, %sign3A_7, %sign3A_14 : i32
    %rem3A = arith.remsi %add3A_1, %jit3A : i32
    %ne3A_15 = arith.constant 0 : i32
    %ne3A_16 = arith.cmpi ne, %rem3A, %ne3A_15 : i32
    %and3A = arith.andi %ne3A, %ne3A_16 : i1
    %sub3A = arith.constant 1 : i32
    %sub3A_17 = arith.subi %div3A, %sub3A : i32
    %select_n3A = arith.select %and3A, %sub3A_17, %div3A : i32
    %mul3A_18 = arith.constant 16 : i32
    %mul3A_19 = arith.muli %arg0, %mul3A_18 : i32
    %add3A_20 = arith.constant 15 : i32
    %add3A_21 = arith.addi %mul3A_19, %add3A_20 : i32
    %jit3A_22 = arith.constant 24 : i32
    %eq3A = arith.constant 0 : i32
    %eq3A_23 = arith.cmpi eq, %jit3A_22, %eq3A : i32
    %jit3A_24 = arith.constant 1 : i32
    %select_n3A_25 = arith.select %eq3A_23, %jit3A_24, %jit3A_22 : i32
    %rem3A_26 = arith.remsi %add3A_21, %select_n3A_25 : i32
    %ne3A_27 = arith.constant 0 : i32
    %ne3A_28 = arith.cmpi ne, %rem3A_26, %ne3A_27 : i32
    %lt3A = arith.constant 0 : i32
    %lt3A_29 = arith.cmpi slt, %rem3A_26, %lt3A : i32
    %lt3A_30 = arith.constant 0 : i32
    %lt3A_31 = arith.cmpi slt, %select_n3A_25, %lt3A_30 : i32
    %ne3A_32 = arith.xori %lt3A_29, %lt3A_31 : i1
    %and3A_33 = arith.andi %ne3A_32, %ne3A_28 : i1
    %add3A_34 = arith.addi %rem3A_26, %select_n3A_25 : i32
    %select_n3A_35 = arith.select %and3A_33, %add3A_34, %rem3A_26 : i32
    %get3A = arith.index_cast %select_n3A : i32 to index
    %get3A_36 = arith.index_cast %select_n3A_35 : i32 to index
    %get3A_37 = memref.load %arg1[%get3A, %get3A_36] : memref<8x24xi32, #tpu.memory_space<smem>>
    %jit3A_38 = arith.constant 8 : i32
    %div3A_39 = arith.divsi %get3A_37, %jit3A_38 : i32
    %sign3A_40 = arith.constant 0 : i32
    %sign3A_41 = arith.cmpi sgt, %get3A_37, %sign3A_40 : i32
    %sign3A_42 = arith.extui %sign3A_41 : i1 to i32
    %sign3A_43 = arith.constant 0 : i32
    %sign3A_44 = arith.cmpi slt, %get3A_37, %sign3A_43 : i32
    %sign3A_45 = arith.extui %sign3A_44 : i1 to i32
    %sign3A_46 = arith.subi %sign3A_42, %sign3A_45 : i32
    %sign3A_47 = arith.constant 0 : i32
    %sign3A_48 = arith.cmpi sgt, %jit3A_38, %sign3A_47 : i32
    %sign3A_49 = arith.extui %sign3A_48 : i1 to i32
    %sign3A_50 = arith.constant 0 : i32
    %sign3A_51 = arith.cmpi slt, %jit3A_38, %sign3A_50 : i32
    %sign3A_52 = arith.extui %sign3A_51 : i1 to i32
    %sign3A_53 = arith.subi %sign3A_49, %sign3A_52 : i32
    %ne3A_54 = arith.cmpi ne, %sign3A_46, %sign3A_53 : i32
    %rem3A_55 = arith.remsi %get3A_37, %jit3A_38 : i32
    %ne3A_56 = arith.constant 0 : i32
    %ne3A_57 = arith.cmpi ne, %rem3A_55, %ne3A_56 : i32
    %and3A_58 = arith.andi %ne3A_54, %ne3A_57 : i1
    %sub3A_59 = arith.constant 1 : i32
    %sub3A_60 = arith.subi %div3A_39, %sub3A_59 : i32
    %select_n3A_61 = arith.select %and3A_58, %sub3A_60, %div3A_39 : i32
    %c0_i32 = arith.constant 0 : i32
    %c0_i32_62 = arith.constant 0 : i32
    return %select_n3A_61, %c0_i32 : i32, i32
  }
  func.func @transform_17(%arg0: i32, %arg1: memref<8x24xi32, #tpu.memory_space<smem>>) -> (i32, i32, i32) {
    %c0_i32 = arith.constant 0 : i32
    %c0_i32_0 = arith.constant 0 : i32
    %c0_i32_1 = arith.constant 0 : i32
    return %arg0, %c0_i32, %c0_i32_0 : i32, i32, i32
  }
}

</mosaic_0001>

<sc_bundles>
// kernel: kernel.5.cloned.1.call-start
scs
__scs_entry_jumppad:
0x0: {  	(pc) =	sbr.rel $0x88, $3  }
0x1: {  	(tag) =	ssettag $0x0;
	lr =	simm.s32 $0x1  }
0x2: {  	[smem:$0x3F9E] =	sst lr;
	_ =	strace $0xD0000000  }
0x3: {  	_ = 	snop  }
0x4: {  	_ = 	snop  }
0x5: {  	_ = 	snop  }
0x6: {  	_ = 	snop  }
0x7: {  	_ = 	snop  }
__scs_overlays_trampoline_lowered:
0x8: {  	[smem:$0x3FAD] =	sst s0  }
0x9: {  	[smem:$0x3FAE] =	sst s1  }
0xa: {  	[smem:$0x3FAF] =	sst s2  }
0xb: {  	[smem:$0x3FB0] =	sst s3  }
0xc: {  	[smem:$0x3FB1] =	sst s4  }
0xd: {  	[smem:$0x3FB2] =	sst s5  }
0xe: {  	[smem:$0x3FB3] =	sst s6  }
0xf: {  	[smem:$0x3FB4] =	sst s7  }
0x10: {  	[smem:$0x3FB5] =	sst s8  }
0x11: {  	[smem:$0x3FB6] =	sst s9;
	s0 =	simm.s32 @!p0 $0x0  }
0x12: {  	s1 =	sld [smem:$0x3F9C];
	s0 =	simm.s32 @p0 $0x1  }
0x13: {  	[smem:$0x3FB7] =	sst s0;
	s0 =	simm.s32 @!p1 $0x0  }
0x14: {  	s2 =	sld [smem:$0x3F9B];
	s0 =	simm.s32 @p1 $0x1  }
0x15: {  	[smem:$0x3FB8] =	sst s0;
	s0 =	simm.s32 @!p2 $0x0  }
0x16: {  	s3 =	sld [smem:$0x3FDB];
	s0 =	simm.s32 @p2 $0x1  }
0x17: {  	s4 =	simm.s32 $0x1BF5;
	[smem:$0x3FBA] =	sst s0  }
0x18: {  	s0 =	sld [smem:$0x3F9D];
	_ =	swait.ge [sflag:s4], $0x0  }
0x19: {  	s7 =	sld [smem:$0x3F9E]  }
0x1a: {  	s8 =	sadd.s32 $0xFFFFE003, lr  }
0x1b: {  	s9 =	sadd.s32 $0xFFFFFEF7, lr;
	s5 =	simm.s32 $0xFFFFFFFF;
	p2 =	slt.u32 s8, $0xFFFFF086  }
0x1c: {  	p1 =	slt.u32 s9, $0xF7A;
	s5 =	simm.s32 @!p2 $0x0  }
0x1d: {  	s5 =	simm.s32 @p1 $0x1;
	p0 =	seq.s32 s7, s2  }
0x1e: {  	s7 =	smul.u32 @!p0 $0xF7A, s2;
	p2 =	seq.s32 @!p0 s5, $0x0  }
0x1f: {  	s9 =	smul.u32 $0xF7A, s1;
	s8 =	simm.s32 @!p0 $0x1BF5;
	p2 =	por !p2, p0  }
0x20: {  	[sflag:s8] =	ssyncset.s32 @!p0 $0xFFFFF086;
	s6 =	sadd.s32 @!p0 s3, s7;
	s7 =	simm.s32 @!p0 $0x108  }
0x21: {  	s3 =	sadd.s32 s3, s9;
	s6 =	sadd.s32 @!p0 $0x88, s6;
	s7 =	simm.s32 @p2 $0x1082  }
0x22: {  	[simem:s7], [sflag:s8] =	dma.local @!p0 [hbm:s6], $0xF7A  }
0x23: {  	s9 =	sor.u32 $0xD0000000, s2;
	s6 =	simm.s32 $0x108;
	_ =	swait.ge @!p0 [sflag:s8], $0x0  }
0x24: {  	s3 =	sadd.s32 $0x88, s3;
	s6 =	simm.s32 @!p1 $0x1082;
	[sflag:s4] =	ssyncset.s32 $0xFFFFF086  }
0x25: {  	[simem:s6], [sflag:s4] =	dma.local [hbm:s3], $0xF7A  }
0x26: {  	[smem:$0x3F9E] =	sst s1;
	(tag) =	ssettag s2;
	_ =	strace s9  }
0x27: {  	s1 =	sld [smem:$0x3FAE]  }
0x28: {  	s2 =	sld [smem:$0x3FAF]  }
0x29: {  	s4 =	sld [smem:$0x3FB1]  }
0x2a: {  	p0 =	seq.s32 s5, $0x0;
	s5 =	sld [smem:$0x3FB2]  }
0x2b: {  	s6 =	sld [smem:$0x3FB3]  }
0x2c: {  	s7 =	sld [smem:$0x3FB4]  }
0x2d: {  	s3 =	simm.s32 $0x108;
	s8 =	sld [smem:$0x3FB5]  }
0x2e: {  	s3 =	simm.s32 @!p0 $0x1082;
	s9 =	sld [smem:$0x3FB6]  }
0x2f: {  	lr =	sadd.s32 s0, s3;
	s0 =	sld [smem:$0x3FAD]  }
0x30: {  	s3 =	sld [smem:$0x3FB0]  }
0x31: {  	[smem:$0x3FB9] =	sst s10  }
0x32: {  	s10 =	sld [smem:$0x3FB7];
	_ =	sdelay $0x3  }
0x33: {  	p0 =	seq.s32 s10, $0x1;
	s10 =	sld [smem:$0x3FB9];
	_ =	sdelay $0x3  }
0x34: {  	[smem:$0x3FB9] =	sst s10  }
0x35: {  	s10 =	sld [smem:$0x3FB8];
	_ =	sdelay $0x3  }
0x36: {  	p1 =	seq.s32 s10, $0x1;
	s10 =	sld [smem:$0x3FB9];
	_ =	sdelay $0x3  }
0x37: {  	[smem:$0x3FB9] =	sst s10  }
0x38: {  	s10 =	sld [smem:$0x3FBA]  }
0x39: {  	_ = 	snop;
	(pc) =	sbr.ind lr, $3  }
0x3a: {  	_ = 	snop  }
0x3b: {  	_ = 	snop  }
0x3c: {  	p2 =	seq.s32 s10, $0x1;
	s10 =	sld [smem:$0x3FB9]  }
0x3d: {  	_ =	shalt  }
0x3e: {  	_ =	shalt  }
0x3f: {  	_ =	shalt  }
0x40: {  	_ =	shalt  }
0x41: {  	_ =	shalt  }
0x42: {  	_ =	shalt  }
0x43: {  	_ =	shalt  }
0x44: {  	_ =	shalt  }
0x45: {  	_ =	shalt  }
0x46: {  	_ =	shalt  }
0x47: {  	_ =	shalt  }
0x48: {  	_ =	shalt  }
0x49: {  	_ =	shalt  }
0x4a: {  	_ =	shalt  }
0x4b: {  	_ =	shalt  }
0x4c: {  	_ =	shalt  }
0x4d: {  	_ =	shalt  }
0x4e: {  	_ =	shalt  }
0x4f: {  	_ =	shalt  }
0x50: {  	_ =	shalt  }
0x51: {  	_ =	shalt  }
0x52: {  	_ =	shalt  }
0x53: {  	_ =	shalt  }
0x54: {  	_ =	shalt  }
0x55: {  	_ =	shalt  }
0x56: {  	_ =	shalt  }
0x57: {  	_ =	shalt  }
0x58: {  	_ =	shalt  }
0x59: {  	_ =	shalt  }
0x5a: {  	_ =	shalt  }
0x5b: {  	_ =	shalt  }
0x5c: {  	_ =	shalt  }
0x5d: {  	_ =	shalt  }
0x5e: {  	_ =	shalt  }
0x5f: {  	_ =	shalt  }
0x60: {  	_ =	shalt  }
0x61: {  	_ =	shalt  }
0x62: {  	_ =	shalt  }
0x63: {  	_ =	shalt  }
0x64: {  	_ =	shalt  }
0x65: {  	_ =	shalt  }
0x66: {  	_ =	shalt  }
0x67: {  	_ =	shalt  }
0x68: {  	_ =	shalt  }
0x69: {  	_ =	shalt  }
0x6a: {  	_ =	shalt  }
0x6b: {  	_ =	shalt  }
0x6c: {  	_ =	shalt  }
0x6d: {  	_ =	shalt  }
0x6e: {  	_ =	shalt  }
0x6f: {  	_ =	shalt  }
0x70: {  	_ =	shalt  }
0x71: {  	_ =	shalt  }
0x72: {  	_ =	shalt  }
0x73: {  	_ =	shalt  }
0x74: {  	_ =	shalt  }
0x75: {  	_ =	shalt  }
0x76: {  	_ =	shalt  }
0x77: {  	_ =	shalt  }
0x78: {  	_ =	shalt  }
0x79: {  	_ =	shalt  }
0x7a: {  	_ =	shalt  }
0x7b: {  	_ =	shalt  }
0x7c: {  	_ =	shalt  }
0x7d: {  	_ =	shalt  }
0x7e: {  	_ =	shalt  }
0x7f: {  	_ =	shalt  }
0x80: {  	_ =	shalt  }
0x81: {  	_ =	shalt  }
0x82: {  	_ =	shalt  }
0x83: {  	_ =	shalt  }
0x84: {  	_ =	shalt  }
0x85: {  	_ =	shalt  }
0x86: {  	_ =	shalt  }
0x87: {  	_ =	shalt  }
.Lfunc_end0:
.L_simem_size_0:
called_computation_lowered:
.L_overlay_start_0:
0x88: {  	s2 =	sld [smem:$0x3FD9]  }
0x89: {  	s3 =	sld [smem:$0x3FFE];
	_ =	sdelay $0x1  }
0x8a: {  	s1 =	srdreg.scid  }
0x8b: {  	s0 =	sand.u32 $0x1, s1  }
0x8c: {  	s17 =	sshll.u32 s0, $0xA;
	s2 =	sadd.s32 s3, s2  }
0x8d: {  	s2 =	sadd.s32 s2, s17  }
0x8e: {  	[smem:$0x3FC5] =	sst s2  }
0x8f: {  	_ = 	snop  }
0x90: {  	s2 =	sld [smem:$0x3FC8]  }
0x91: {  	s18 =	sld [smem:$0x3FC7];
	(tm) =	ssettm $0x1  }
0x92: {  	s4 =	sld [smem:$0x3FFB];
	_ =	sdelay $0x3  }
0x93: {  	_ =	strace s4  }
0x94: {  	s4 =	sld [smem:$0x3FFC];
	_ =	sdelay $0x3  }
0x95: {  	_ =	strace s4  }
0x96: {  	s4 =	sld [smem:$0x3FFD];
	_ =	sdelay $0x3  }
0x97: {  	_ =	strace s4  }
0x98: {  	_ =	strace $0x8FFFFFFF  }
0x99: {  	s19 =	sld [smem:$0x3FDB];
	_ =	sdelay $0x1  }
0x9a: {  	s5 =	simm.s32 $_scs_section_size  }
0x9b: {  	s6 =	simm.s32 $_size__tile_overlayer_lowered;
	s7 =	simm.s32 $_tile_overlayer_lowered  }
0x9c: {  	s22 =	simm.s32 $0x1BFF;
	s21 =	sshll.u32 s7, $0x1;
	s4 =	sadd.s32 s5, s19  }
0x9d: {  	s8 =	simm.s32 $0x0;
	s20 =	sshll.u32 s6, $0x1;
	s6 =	sadd.s32 s21, s4  }
0x9e: {  	[timem:s8], [sflag:s22] =	dma.local [hbm:s6], s20  }
0x9f: {  	_ =	swait.ge [sflag:s22], s20  }
0xa0: {  	s5 =	ssub.s32 $0x0, s20;
	[sflag:s22] =	ssyncset.done $0x0  }
0xa1: {  	[sflag:s22] =	ssyncadd.s32 s5;
	_ =	sdelay $0x1  }
0xa2: {  	s23 =	simm.s32 $0x1B8B  }
0xa3: {  	_ =	swait.ge [sflag:s23], $0x1  }
0xa4: {  	[sflag:s23] =	ssyncset.done $0x0  }
0xa5: {  	s25 =	simm.s32 $0x1B8E;
	s24 =	sld [smem:$0x3FFE];
	[sflag:s23] =	ssyncadd.s32 $0xFFFFFFFF  }
0xa6: {  	s26 =	simm.s32 $execute0_lowered;
	[smem:$0x3FD2] =	sst s25  }
0xa7: {  	s6 =	sshll.u32 s26, $0x1;
	_ =	strace $0x80000046;
	[dreg:$0x1] =	wrdreg $0xFFFFFFFF  }
0xa8: {  	s28 =	simm.s32 $_size_execute0_lowered;
	s4 =	sadd.s32 s4, s6;
	[dreg:$0x0] =	wrdreg $0x0  }
0xa9: {  	s6 =	sshll.u32 s28, $0x1;
	[dreg:$0x2] =	wrdreg s4  }
0xaa: {  	[dreg:$0x3] =	wrdreg s6  }
0xab: {  	[dreg:$0x4] =	wrdreg $0xC0  }
0xac: {  	_ =	task [dreg:s8], $0x5FFFF  }
0xad: {  	[dreg:$0x1] =	wrdreg $0xFFFFFFFF  }
0xae: {  	[dreg:$0x0] =	wrdreg $0x60  }
0xaf: {  	[dreg:$0x2] =	wrdreg s18  }
0xb0: {  	[dreg:$0x3] =	wrdreg s2  }
0xb1: {  	[dreg:$0x4] =	wrdreg s24  }
0xb2: {  	[dreg:$0x5] =	wrdreg $0x9  }
0xb3: {  	_ =	task.clear_ibuf [dreg:s8], $0x6FFFF;
	_ =	strace $0x90000046  }
0xb4: {  	s29 =	simm.s32 $0x9;
	_ =	strace $0x80000048  }
0xb5: {  	_ =	swait.ge [sflag:s29], $0x1  }
0xb6: {  	[sflag:s29] =	ssyncadd.s32 $0xFFFFFFFF  }
0xb7: {  	_ =	strace $0x90000048  }
0xb8: {  	_ =	sfence  }
0xb9: {  	s30 =	sld [smem:$0x0];
	_ =	sdelay $0x2  }
0xba: {  	s31 =	sshll.u32 s1, $0xD;
	s1 =	sshrl.u32 s1, $0x2  }
0xbb: {  	s3 =	sand.u32 $0x4000, s31;
	s1 =	sadd.s32 s1, s30  }
0xbc: {  	s0 =	sor.u32 s3, s0;
	s1 =	sshll.u32 s1, $0x11  }
0xbd: {  	s0 =	sor.u32 s1, s0  }
0xbe: {  	s0 =	sadd.s32 $0x8F2B, s0  }
0xbf: {  	[sflag:s0] =	ssyncadd.remote.s32 $0x1  }
0xc0: {  	_ =	sfence.sel $0xFFFF  }
0xc1: {  	[dreg:$0x0] =	wrdreg $0xFFFFFFFF;
	(pc) =	sbr.abs _section_cstart, $3  }
0xc2: {  	[dreg:$0x1] =	wrdreg $0xFFFFFFFF  }
0xc3: {  	_ =	task.clear_ibuf [dreg:s8], $0x2FFFF;
	_ =	strace $0x9FFFFFFF  }
0xc4: {  	(tm) =	ssettm $0x7FFFFFFF  }
0xc5: {  	_ =	shalt  }
tec
execute0_lowered:
.L_overlay_start_1:
0x0: {  	(tag) =	ssettag $0x1  }
0x1: {  	s1 =	stileid.u32  }
0x2: {  	p0 =	sgt.u32 s1, $0x9  }
.Ltmp0:
0x3: {  	s2 =	rddreg [dreg:$0x0];
	(pc) =	sbr.rel @p0 .LBB2_4-.Ltmp0, $4  }
0x4: {  	s4 =	rddreg [dreg:$0x1]  }
0x5: {  	s9 =	rddreg [dreg:$0x2];
	s3 =	simm.s32 $0x0  }
0x6: {  	[smem:$0x7FF] =	sst s3  }
0x7: {  	s0 =	rddreg [dreg:$0x3];
	_ =	strace $0x80000047  }
0x8: {  	s5 =	srdreg.scid  }
0x9: {  	s30 =	sshll.u32 s1, $0x1;
	s6 =	sand.u32 $0x1, s5  }
0xa: {  	s10 =	sor.u32 s6, s30  }
0xb: {  	s5 =	sshll.u32 s10, $0x3  }
0xc: {  	s5 =	sadd.s32 $0x20, s5  }
0xd: {  	s7 =	smul.u32 $0xAAB, s5;
	_ =	sdelay $0x1  }
0xe: {  	s8 =	sshrl.u32 s7, $0x10  }
0xf: {  	s8 =	smul.u32 $0x18, s8;
	_ =	sdelay $0x1  }
0x10: {  	s7 =	sshrl.u32 s7, $0x9;
	s5 =	ssub.s32 s5, s8  }
0x11: {  	s7 =	sand.u32 $0x380, s7;
	s5 =	sand.u32 $0xFFF8, s5  }
0x12: {  	s5 =	sor.u32 s5, s7  }
0x13: {  	s11 =	ssub.s32 $0x2, s6;
	s6 =	simm.s32 $0x8;
	s5 =	sshrl.u32 s5, $0x3  }
0x14: {  	s12 =	sshrl.u32 s11, $0x1;
	s5 =	sadd.s32 s4, s5;
	s4 =	simm.s32 $0x2  }
0x15: {  	[tilespmem:s3], [sflag:$0x2] =	stream.linear.gather [hbm4b:s5+s3], $0x8, $0x38;
	[tilespmem:$0x480] =	vst v63  }
0x16: {  	s10 =	sshll.u32 s10, $0x7;
	s31 =	ssub.s32 s11, s12;
	_ =	swait.ge [sflag:s4], $0x8  }
0x17: {  	s9 =	sadd.s32 s10, s9;
	s10 =	smax.u32 s31, $0x1;
	[sflag:s4] =	ssyncset.done $0x0  }
0x18: {  	s8 =	simm.s32 $0x1;
	s7 =	simm.s32 $0x80;
	[sflag:s4] =	ssyncadd.s32 $0xFFFFFFF8  }
0x19: {  	[tilespmem:s7], [sflag:$0x1] =	stream.indirect.gather [hbm4b:s2+s6], $0x80, s3, s6, $0xb8;
	[tilespmem:$0x480] =	vst v63  }
0x1a: {  	p0 =	sne.s32 s10, $0x1;
	_ =	swait.ge [sflag:s8], $0x400  }
.Ltmp1:
0x1b: {  	[sflag:s8] =	ssyncset.done $0x0;
	(pc) =	sbr.rel @!p0 .LBB2_3-.Ltmp1, $4  }
0x1c: {  	s9 =	sadd.s32 $0xA00, s9;
	[sflag:s8] =	ssyncadd.s32 $0xFFFFFC00  }
0x1d: {  	[hbm4b:s9+s3] =	stream.linear.scatter [tilespmem:s7], [sflag:$0x2], $0x400, $0x38;
	[tilespmem:$0x480] =	vst v63  }
0x1e: {  	_ =	swait.ge [sflag:s4], $0x400  }
0x1f: {  	s10 =	sadd.s32 $0xFFFFFFFF, s10;
	[sflag:s4] =	ssyncset.done $0x0  }
.LBB2_2:
0x20: {  	p0 =	sne.s32 s10, $0x1;
	s10 =	sadd.s32 $0xFFFFFFFF, s10;
	[sflag:s4] =	ssyncadd.s32 $0xFFFFFC00  }
0x21: {  	[tilespmem:s3], [sflag:$0x2] =	stream.linear.gather [hbm4b:s5+s3], $0x8, $0x38;
	[tilespmem:$0x480] =	vst v63  }
0x22: {  	_ =	swait.ge [sflag:s4], $0x8  }
0x23: {  	[sflag:s4] =	ssyncset.done $0x0  }
0x24: {  	[sflag:s4] =	ssyncadd.s32 $0xFFFFFFF8  }
0x25: {  	[tilespmem:s7], [sflag:$0x1] =	stream.indirect.gather [hbm4b:s2+s6], $0x80, s3, s6, $0xb8;
	[tilespmem:$0x480] =	vst v63  }
0x26: {  	_ =	swait.ge [sflag:s8], $0x400  }
.Ltmp2:
0x27: {  	[sflag:s8] =	ssyncset.done $0x0;
	(pc) =	sbr.rel @p0 .LBB2_2-.Ltmp2, $4  }
0x28: {  	[sflag:s8] =	ssyncadd.s32 $0xFFFFFC00  }
0x29: {  	[hbm4b:s9+s3] =	stream.linear.scatter [tilespmem:s7], [sflag:$0x2], $0x400, $0x38;
	[tilespmem:$0x480] =	vst v63  }
0x2a: {  	_ =	swait.ge [sflag:s4], $0x400  }
0x2b: {  	[sflag:s4] =	ssyncset.done $0x0  }
.LBB2_3:
0x2c: {  	[sflag:s4] =	ssyncadd.s32 $0xFFFFFC00  }
.LBB2_4:
0x2d: {  	_ =	sfence.sel $0x180000  }
0x2e: {  	[bflag:$0x0] =	sbarrier.arrive $0xFFFF  }
0x2f: {  	p0 =	sne.s32 s1, $0x0;
	_ =	strace $0x90000047  }
0x30: {  	s0 =	sadd.s32 @!p0 $0x100000, s0;
	[bflag:$0x2] =	sbarrier.arrive $0xFFFF  }
0x31: {  	[sflag:s0] =	ssyncadd.tile.s32 @!p0 $0x1;
	_ =	shalt  }
.Lfunc_end2:
_tile_overlayer_lowered:
.L_overlay_start_2:
0x32: {  	(tag) =	ssettag $0x2  }
0x33: {  	s0 =	rddreg [dreg:$0x0];
	s2 =	stileid.u32  }
0x34: {  	s1 =	rddreg [dreg:$0x1];
	p0 =	sne.s32 s2, $0x0  }
0x35: {  	s3 =	rddreg [dreg:$0x2];
	[bflag:$0x3] =	sbarrier.arrive $0xFFFF;
	s2 =	simm.s32 @!p0 $0x1C02  }
0x36: {  	[timem:s3], [sflag:s2] =	dma.local @!p0 [hbm:s0], s1  }
0x37: {  	s0 =	simm.s32 @!p0 $0x2  }
0x38: {  	_ =	swait.ge @!p0 [sflag:s0], s1  }
0x39: {  	s1 =	ssub.s32 @!p0 $0x0, s1;
	[sflag:s0] =	ssyncset.done @!p0 $0x0  }
0x3a: {  	[sflag:s0] =	ssyncadd.s32 @!p0 s1  }
0x3b: {  	[bflag:$0x3] =	sbarrier.arrive $0xFFFF  }
0x3c: {  	_ =	shalt  }

</sc_bundles>
